<compile_context>
chip_gen: v7x
topology: tpu7x:2x2x1
jax: 0.10.2.dev20260603
libtpu: 0.0.44.dev20260713+nightly
codegen_flags: <defaults>
</compile_context>

<pallas_src>
import functools

import jax
import jax.numpy as jnp
from jax import lax
from jax.experimental import pallas as pl
from jax.experimental.pallas import tpu as pltpu
from jax.experimental.pallas import tpu_sc as plsc

B = 4096
K = 200
D = 128
V = 8192
NC = 2
NS = 16
NW = NC * NS
BPW = B // NW
VPT = V // NS

_mesh = plsc.VectorSubcoreMesh(core_axis_name="c", subcore_axis_name="s")


@functools.partial(
    pl.kernel,
    mesh=_mesh,
    out_type=jax.ShapeDtypeStruct((B, K, D), jnp.float32),
    scratch_types=[
        pltpu.VMEM((BPW * K,), jnp.int32),
        pltpu.VMEM((4, K, D), jnp.float32),
        pltpu.SemaphoreType.DMA,
        pltpu.SemaphoreType.DMA,
        pltpu.SemaphoreType.DMA,
        pltpu.SemaphoreType.DMA,
        pltpu.SemaphoreType.DMA,
        pltpu.SemaphoreType.DMA,
        pltpu.SemaphoreType.DMA,
        pltpu.SemaphoreType.DMA,
    ],
)
def _gather_pe(table_hbm, idx_hbm, out_hbm, idx_v, rows_v,
               g0, g1, g2, g3, s0, s1, s2, s3):
    cid = lax.axis_index("c")
    sid = lax.axis_index("s")
    wid = sid * NC + cid
    b0 = wid * BPW

    pltpu.sync_copy(idx_hbm.at[pl.ds(b0 * K, BPW * K)], idx_v)

    gsems = (g0, g1, g2, g3)
    ssems = (s0, s1, s2, s3)

    def gather_cp(i, slot):
        return pltpu.make_async_copy(
            table_hbm.at[idx_v.at[pl.ds(i * K, K)]], rows_v.at[slot],
            gsems[slot])

    def store_cp(i, slot):
        return pltpu.make_async_copy(
            rows_v.at[slot], out_hbm.at[b0 + i], ssems[slot])

    gather_cp(0, 0).start()
    gather_cp(1, 1).start()
    gather_cp(2, 2).start()

    gather_cp(0, 0).wait()
    store_cp(0, 0).start()
    gather_cp(3, 3).start()

    def body(g, carry):
        for b in range(4):
            i = 1 + 4 * g + b
            slot = (1 + b) % 4
            gather_cp(i, slot).wait()
            store_cp(i, slot).start()
            store_cp(i - 1, (slot - 1) % 4).wait()
            gather_cp(i + 3, (slot + 3) % 4).start()
        return carry

    lax.fori_loop(0, (BPW - 4) // 4, body, 0)

    for i in range(BPW - 3, BPW):
        gather_cp(i, i % 4).wait()
        store_cp(i, i % 4).start()
        store_cp(i - 1, (i - 1) % 4).wait()
    store_cp(BPW - 1, (BPW - 1) % 4).wait()


def kernel(indices, pe):
    table = pe[0]
    idx = indices.astype(jnp.int32).reshape(-1)
    return _gather_pe(table, idx)

# --- scband reference (transcript-rebuilt; emitter-appended) ---
"""Pipeline reference for scband-sinusoidal-pe-25280177504754 (READ-ONLY COPY).

The authoritative reference and input builder live on the scoring server;
editing this copy changes nothing except your own understanding.
"""

import math
import jax, jax.numpy as jnp
import numpy as np

EMBED_DIM = 128
MAX_LEN = 8192
B = 4096
K = 200

def _build_pe(max_len, embed_dim):
    pe = np.zeros((max_len, embed_dim), dtype=np.float32)
    pos = np.arange(0, max_len, dtype=np.float32)[:, None]
    div = np.exp(np.arange(0, embed_dim, 2, dtype=np.float32) * (-math.log(10000.0) / embed_dim))
    pe[:, 0::2] = np.sin(pos * div)
    pe[:, 1::2] = np.cos(pos * div)
    return jnp.asarray(pe)[None, :, :]  # (1, max_len, embed_dim)

def setup_inputs(seed: int = 0) -> dict:
    key = jax.random.key(seed)
    indices = jax.random.randint(key, (B, K), 0, MAX_LEN, dtype=jnp.int64 if jax.config.read('jax_enable_x64') else jnp.int32)
    pe = _build_pe(MAX_LEN, EMBED_DIM)
    return {"indices": indices, "pe": pe}

def reference(indices, pe):
    # torch.gather(pe.expand(B,-1,-1), dim=1, index=idx) == pe[0][indices]
    out = jnp.take(pe[0], indices, axis=0)  # (B, K, embed_dim)
    return out

if __name__ == "__main__":
    import jax
    _d = setup_inputs()
    print(jax.jit(kernel)(*tuple(_d.values())))

</pallas_src>

<mosaic_0001>
#map = affine_map<(d0, d1) -> (0, 0)>
#map1 = affine_map<(d0, d1) -> (0)>
#map2 = affine_map<(d0, d1) -> (0, 0, 0)>
module attributes {stable_mosaic.version = 14 : i64} {
  func.func @_gather_pe(%arg0: i32, %arg1: i32, %arg2: memref<8192x128xf32, #tpu.memory_space<hbm>>, %arg3: memref<819200xi32, #tpu.memory_space<hbm>>, %arg4: memref<4096x200x128xf32, #tpu.memory_space<hbm>>, %arg5: memref<25600xi32, #tpu.memory_space<vmem>>, %arg6: memref<4x200x128xf32, #tpu.memory_space<vmem>>, %arg7: memref<!tpu.dma_semaphore, #tpu.memory_space<semaphore_mem>>, %arg8: memref<!tpu.dma_semaphore, #tpu.memory_space<semaphore_mem>>, %arg9: memref<!tpu.dma_semaphore, #tpu.memory_space<semaphore_mem>>, %arg10: memref<!tpu.dma_semaphore, #tpu.memory_space<semaphore_mem>>, %arg11: memref<!tpu.dma_semaphore, #tpu.memory_space<semaphore_mem>>, %arg12: memref<!tpu.dma_semaphore, #tpu.memory_space<semaphore_mem>>, %arg13: memref<!tpu.dma_semaphore, #tpu.memory_space<semaphore_mem>>, %arg14: memref<!tpu.dma_semaphore, #tpu.memory_space<semaphore_mem>>) attributes {dimension_semantics = [#tpu.dimension_semantics<core_parallel>, #tpu.dimension_semantics<subcore_parallel>], iteration_bounds = array<i64: 2, 16>, scalar_prefetch = 0 : i64, scratch_operands = 10 : i64, tpu.core_type = #tpu.core_type<sc_vector_subcore>, window_params = [{transform_indices = #map}, {transform_indices = #map1}, {transform_indices = #map2}]} {
    %mul3A = arith.constant 2 : i32
    %mul3A_0 = arith.muli %arg1, %mul3A : i32
    %add3A = arith.addi %mul3A_0, %arg0 : i32
    %mul3A_1 = arith.constant 128 : i32
    %mul3A_2 = arith.muli %add3A, %mul3A_1 : i32
    %mul3A_3 = arith.constant 200 : i32
    %mul3A_4 = arith.muli %mul3A_2, %mul3A_3 : i32
    "tpu.region"() ({
      %run_scoped3A = tpu.sem_alloc : memref<!tpu.dma_semaphore, #tpu.memory_space<semaphore_mem>>
      %dma_start3A_240 = tpu.memref_slice %arg3[%mul3A_4] : memref<819200xi32, #tpu.memory_space<hbm>> -> memref<25600xi32, #tpu.memory_space<hbm>>
      %dma_start3A_241 = tpu.memref_slice %arg3[%mul3A_4] : memref<819200xi32, #tpu.memory_space<hbm>> -> memref<25600xi32, #tpu.memory_space<hbm>>
      tpu.enqueue_dma source(%dma_start3A_241 : memref<25600xi32, #tpu.memory_space<hbm>>) target(%arg5 : memref<25600xi32, #tpu.memory_space<vmem>>) target_semaphore(%run_scoped3A : memref<!tpu.dma_semaphore, #tpu.memory_space<semaphore_mem>>)
      %dma_wait3A_242 = tpu.memref_slice %arg3[%mul3A_4] : memref<819200xi32, #tpu.memory_space<hbm>> -> memref<25600xi32, #tpu.memory_space<hbm>>
      %dma_wait3A_243 = tpu.memref_slice %arg3[%mul3A_4] : memref<819200xi32, #tpu.memory_space<hbm>> -> memref<25600xi32, #tpu.memory_space<hbm>>
      tpu.wait_dma2 semaphore(%run_scoped3A : memref<!tpu.dma_semaphore, #tpu.memory_space<semaphore_mem>>) src(%dma_wait3A_243 : memref<25600xi32, #tpu.memory_space<hbm>>) dst(%arg5 : memref<25600xi32, #tpu.memory_space<vmem>>)
      tpu.yield
    }) : () -> ()
    %dma_start3A = arith.constant 0 : i32
    %dma_start3A_5 = arith.constant 0 : i32
    %dma_start3A_6 = arith.constant 0 : i32
    %dma_start3A_7 = tpu.memref_slice %arg6[%dma_start3A, %dma_start3A_5, %dma_start3A_6] : memref<4x200x128xf32, #tpu.memory_space<vmem>> -> memref<1x200x128xf32, #tpu.memory_space<vmem>>
    %dma_start3A_8 = tpu.memref_squeeze %dma_start3A_7 : memref<1x200x128xf32, #tpu.memory_space<vmem>> -> memref<200x128xf32, #tpu.memory_space<vmem>>
    %dma_start3A_9 = arith.constant 0 : i32
    %dma_start3A_10 = tpu.memref_slice %arg5[%dma_start3A_9] : memref<25600xi32, #tpu.memory_space<vmem>> -> memref<200xi32, #tpu.memory_space<vmem>>
    %dma_start3A_11 = arith.constant 0 : i32
    %dma_start3A_12 = arith.constant 0 : i32
    %dma_start3A_13 = tpu.memref_slice %arg2[%dma_start3A_11, %dma_start3A_12] : memref<8192x128xf32, #tpu.memory_space<hbm>> -> memref<8192x128xf32, #tpu.memory_space<hbm>>
    tpu.enqueue_indirect_dma source(%dma_start3A_13 : memref<8192x128xf32, #tpu.memory_space<hbm>>) target(%dma_start3A_8 : memref<200x128xf32, #tpu.memory_space<vmem>>) offsets(%dma_start3A_10 : memref<200xi32, #tpu.memory_space<vmem>>) semaphore(%arg7 : memref<!tpu.dma_semaphore, #tpu.memory_space<semaphore_mem>>)
    %dma_start3A_14 = arith.constant 1 : i32
    %dma_start3A_15 = arith.constant 0 : i32
    %dma_start3A_16 = arith.constant 0 : i32
    %dma_start3A_17 = tpu.memref_slice %arg6[%dma_start3A_14, %dma_start3A_15, %dma_start3A_16] : memref<4x200x128xf32, #tpu.memory_space<vmem>> -> memref<1x200x128xf32, #tpu.memory_space<vmem>>
    %dma_start3A_18 = tpu.memref_squeeze %dma_start3A_17 : memref<1x200x128xf32, #tpu.memory_space<vmem>> -> memref<200x128xf32, #tpu.memory_space<vmem>>
    %dma_start3A_19 = arith.constant 200 : i32
    %dma_start3A_20 = tpu.memref_slice %arg5[%dma_start3A_19] : memref<25600xi32, #tpu.memory_space<vmem>> -> memref<200xi32, #tpu.memory_space<vmem>>
    %dma_start3A_21 = arith.constant 0 : i32
    %dma_start3A_22 = arith.constant 0 : i32
    %dma_start3A_23 = tpu.memref_slice %arg2[%dma_start3A_21, %dma_start3A_22] : memref<8192x128xf32, #tpu.memory_space<hbm>> -> memref<8192x128xf32, #tpu.memory_space<hbm>>
    tpu.enqueue_indirect_dma source(%dma_start3A_23 : memref<8192x128xf32, #tpu.memory_space<hbm>>) target(%dma_start3A_18 : memref<200x128xf32, #tpu.memory_space<vmem>>) offsets(%dma_start3A_20 : memref<200xi32, #tpu.memory_space<vmem>>) semaphore(%arg8 : memref<!tpu.dma_semaphore, #tpu.memory_space<semaphore_mem>>)
    %dma_start3A_24 = arith.constant 2 : i32
    %dma_start3A_25 = arith.constant 0 : i32
    %dma_start3A_26 = arith.constant 0 : i32
    %dma_start3A_27 = tpu.memref_slice %arg6[%dma_start3A_24, %dma_start3A_25, %dma_start3A_26] : memref<4x200x128xf32, #tpu.memory_space<vmem>> -> memref<1x200x128xf32, #tpu.memory_space<vmem>>
    %dma_start3A_28 = tpu.memref_squeeze %dma_start3A_27 : memref<1x200x128xf32, #tpu.memory_space<vmem>> -> memref<200x128xf32, #tpu.memory_space<vmem>>
    %dma_start3A_29 = arith.constant 400 : i32
    %dma_start3A_30 = tpu.memref_slice %arg5[%dma_start3A_29] : memref<25600xi32, #tpu.memory_space<vmem>> -> memref<200xi32, #tpu.memory_space<vmem>>
    %dma_start3A_31 = arith.constant 0 : i32
    %dma_start3A_32 = arith.constant 0 : i32
    %dma_start3A_33 = tpu.memref_slice %arg2[%dma_start3A_31, %dma_start3A_32] : memref<8192x128xf32, #tpu.memory_space<hbm>> -> memref<8192x128xf32, #tpu.memory_space<hbm>>
    tpu.enqueue_indirect_dma source(%dma_start3A_33 : memref<8192x128xf32, #tpu.memory_space<hbm>>) target(%dma_start3A_28 : memref<200x128xf32, #tpu.memory_space<vmem>>) offsets(%dma_start3A_30 : memref<200xi32, #tpu.memory_space<vmem>>) semaphore(%arg9 : memref<!tpu.dma_semaphore, #tpu.memory_space<semaphore_mem>>)
    %dma_wait3A = arith.constant 0 : i32
    %dma_wait3A_34 = arith.constant 0 : i32
    %dma_wait3A_35 = arith.constant 0 : i32
    %dma_wait3A_36 = tpu.memref_slice %arg6[%dma_wait3A, %dma_wait3A_34, %dma_wait3A_35] : memref<4x200x128xf32, #tpu.memory_space<vmem>> -> memref<1x200x128xf32, #tpu.memory_space<vmem>>
    %dma_wait3A_37 = tpu.memref_squeeze %dma_wait3A_36 : memref<1x200x128xf32, #tpu.memory_space<vmem>> -> memref<200x128xf32, #tpu.memory_space<vmem>>
    %dma_wait3A_38 = arith.constant 0 : i32
    %dma_wait3A_39 = tpu.memref_slice %arg5[%dma_wait3A_38] : memref<25600xi32, #tpu.memory_space<vmem>> -> memref<200xi32, #tpu.memory_space<vmem>>
    %dma_wait3A_40 = arith.constant 0 : i32
    %dma_wait3A_41 = arith.constant 0 : i32
    %dma_wait3A_42 = tpu.memref_slice %arg2[%dma_wait3A_40, %dma_wait3A_41] : memref<8192x128xf32, #tpu.memory_space<hbm>> -> memref<8192x128xf32, #tpu.memory_space<hbm>>
    tpu.wait_indirect_dma semaphore(%arg7 : memref<!tpu.dma_semaphore, #tpu.memory_space<semaphore_mem>>) src(%dma_wait3A_42 : memref<8192x128xf32, #tpu.memory_space<hbm>>) dst(%dma_wait3A_37 : memref<200x128xf32, #tpu.memory_space<vmem>>)
    %add3A_43 = arith.constant 0 : i32
    %add3A_44 = arith.addi %mul3A_2, %add3A_43 : i32
    %dma_start3A_45 = arith.constant 0 : i32
    %dma_start3A_46 = arith.constant 0 : i32
    %dma_start3A_47 = arith.constant 0 : i32
    %dma_start3A_48 = tpu.memref_slice %arg6[%dma_start3A_45, %dma_start3A_46, %dma_start3A_47] : memref<4x200x128xf32, #tpu.memory_space<vmem>> -> memref<1x200x128xf32, #tpu.memory_space<vmem>>
    %dma_start3A_49 = tpu.memref_squeeze %dma_start3A_48 : memref<1x200x128xf32, #tpu.memory_space<vmem>> -> memref<200x128xf32, #tpu.memory_space<vmem>>
    %dma_start3A_50 = arith.constant 0 : i32
    %dma_start3A_51 = arith.constant 0 : i32
    %dma_start3A_52 = tpu.memref_slice %arg4[%add3A_44, %dma_start3A_50, %dma_start3A_51] : memref<4096x200x128xf32, #tpu.memory_space<hbm>> -> memref<1x200x128xf32, #tpu.memory_space<hbm>>
    %dma_start3A_53 = tpu.memref_squeeze %dma_start3A_52 : memref<1x200x128xf32, #tpu.memory_space<hbm>> -> memref<200x128xf32, #tpu.memory_space<hbm>>
    %dma_start3A_54 = arith.constant 0 : i32
    %dma_start3A_55 = arith.constant 0 : i32
    %dma_start3A_56 = tpu.memref_slice %arg4[%add3A_44, %dma_start3A_54, %dma_start3A_55] : memref<4096x200x128xf32, #tpu.memory_space<hbm>> -> memref<1x200x128xf32, #tpu.memory_space<hbm>>
    %dma_start3A_57 = tpu.memref_squeeze %dma_start3A_56 : memref<1x200x128xf32, #tpu.memory_space<hbm>> -> memref<200x128xf32, #tpu.memory_space<hbm>>
    %dma_start3A_58 = arith.constant 0 : i32
    %dma_start3A_59 = arith.constant 0 : i32
    %dma_start3A_60 = tpu.memref_slice %arg6[%dma_start3A_45, %dma_start3A_58, %dma_start3A_59] : memref<4x200x128xf32, #tpu.memory_space<vmem>> -> memref<1x200x128xf32, #tpu.memory_space<vmem>>
    %dma_start3A_61 = tpu.memref_squeeze %dma_start3A_60 : memref<1x200x128xf32, #tpu.memory_space<vmem>> -> memref<200x128xf32, #tpu.memory_space<vmem>>
    tpu.enqueue_dma source(%dma_start3A_61 : memref<200x128xf32, #tpu.memory_space<vmem>>) target(%dma_start3A_57 : memref<200x128xf32, #tpu.memory_space<hbm>>) target_semaphore(%arg11 : memref<!tpu.dma_semaphore, #tpu.memory_space<semaphore_mem>>)
    %dma_start3A_62 = arith.constant 3 : i32
    %dma_start3A_63 = arith.constant 0 : i32
    %dma_start3A_64 = arith.constant 0 : i32
    %dma_start3A_65 = tpu.memref_slice %arg6[%dma_start3A_62, %dma_start3A_63, %dma_start3A_64] : memref<4x200x128xf32, #tpu.memory_space<vmem>> -> memref<1x200x128xf32, #tpu.memory_space<vmem>>
    %dma_start3A_66 = tpu.memref_squeeze %dma_start3A_65 : memref<1x200x128xf32, #tpu.memory_space<vmem>> -> memref<200x128xf32, #tpu.memory_space<vmem>>
    %dma_start3A_67 = arith.constant 600 : i32
    %dma_start3A_68 = tpu.memref_slice %arg5[%dma_start3A_67] : memref<25600xi32, #tpu.memory_space<vmem>> -> memref<200xi32, #tpu.memory_space<vmem>>
    %dma_start3A_69 = arith.constant 0 : i32
    %dma_start3A_70 = arith.constant 0 : i32
    %dma_start3A_71 = tpu.memref_slice %arg2[%dma_start3A_69, %dma_start3A_70] : memref<8192x128xf32, #tpu.memory_space<hbm>> -> memref<8192x128xf32, #tpu.memory_space<hbm>>
    tpu.enqueue_indirect_dma source(%dma_start3A_71 : memref<8192x128xf32, #tpu.memory_space<hbm>>) target(%dma_start3A_66 : memref<200x128xf32, #tpu.memory_space<vmem>>) offsets(%dma_start3A_68 : memref<200xi32, #tpu.memory_space<vmem>>) semaphore(%arg10 : memref<!tpu.dma_semaphore, #tpu.memory_space<semaphore_mem>>)
    %scan3A = arith.constant 0 : i32
    %scan3A_72 = arith.constant 0 : i32
    %scan3A_73 = arith.constant 31 : i32
    %scan3A_74 = arith.addi %scan3A_72, %scan3A_73 : i32
    %scan3A_75 = arith.constant 1 : i32
    scf.for %scan3A_240 = %scan3A_72 to %scan3A_74 step %scan3A_75  : i32 {
      %mul3A_241 = arith.constant 4 : i32
      %mul3A_242 = arith.muli %mul3A_241, %scan3A_240 : i32
      %add3A_243 = arith.constant 1 : i32
      %add3A_244 = arith.addi %add3A_243, %mul3A_242 : i32
      %add3A_245 = arith.constant 0 : i32
      %add3A_246 = arith.addi %add3A_244, %add3A_245 : i32
      %mul3A_247 = arith.constant 200 : i32
      %mul3A_248 = arith.muli %add3A_246, %mul3A_247 : i32
      %dma_wait3A_249 = arith.constant 1 : i32
      %dma_wait3A_250 = arith.constant 0 : i32
      %dma_wait3A_251 = arith.constant 0 : i32
      %dma_wait3A_252 = tpu.memref_slice %arg6[%dma_wait3A_249, %dma_wait3A_250, %dma_wait3A_251] : memref<4x200x128xf32, #tpu.memory_space<vmem>> -> memref<1x200x128xf32, #tpu.memory_space<vmem>>
      %dma_wait3A_253 = tpu.memref_squeeze %dma_wait3A_252 : memref<1x200x128xf32, #tpu.memory_space<vmem>> -> memref<200x128xf32, #tpu.memory_space<vmem>>
      %dma_wait3A_254 = tpu.memref_slice %arg5[%mul3A_248] : memref<25600xi32, #tpu.memory_space<vmem>> -> memref<200xi32, #tpu.memory_space<vmem>>
      %dma_wait3A_255 = arith.constant 0 : i32
      %dma_wait3A_256 = arith.constant 0 : i32
      %dma_wait3A_257 = tpu.memref_slice %arg2[%dma_wait3A_255, %dma_wait3A_256] : memref<8192x128xf32, #tpu.memory_space<hbm>> -> memref<8192x128xf32, #tpu.memory_space<hbm>>
      tpu.wait_indirect_dma semaphore(%arg8 : memref<!tpu.dma_semaphore, #tpu.memory_space<semaphore_mem>>) src(%dma_wait3A_257 : memref<8192x128xf32, #tpu.memory_space<hbm>>) dst(%dma_wait3A_253 : memref<200x128xf32, #tpu.memory_space<vmem>>)
      %add3A_258 = arith.addi %mul3A_2, %add3A_246 : i32
      %dma_start3A_259 = arith.constant 1 : i32
      %dma_start3A_260 = arith.constant 0 : i32
      %dma_start3A_261 = arith.constant 0 : i32
      %dma_start3A_262 = tpu.memref_slice %arg6[%dma_start3A_259, %dma_start3A_260, %dma_start3A_261] : memref<4x200x128xf32, #tpu.memory_space<vmem>> -> memref<1x200x128xf32, #tpu.memory_space<vmem>>
      %dma_start3A_263 = tpu.memref_squeeze %dma_start3A_262 : memref<1x200x128xf32, #tpu.memory_space<vmem>> -> memref<200x128xf32, #tpu.memory_space<vmem>>
      %dma_start3A_264 = arith.constant 0 : i32
      %dma_start3A_265 = arith.constant 0 : i32
      %dma_start3A_266 = tpu.memref_slice %arg4[%add3A_258, %dma_start3A_264, %dma_start3A_265] : memref<4096x200x128xf32, #tpu.memory_space<hbm>> -> memref<1x200x128xf32, #tpu.memory_space<hbm>>
      %dma_start3A_267 = tpu.memref_squeeze %dma_start3A_266 : memref<1x200x128xf32, #tpu.memory_space<hbm>> -> memref<200x128xf32, #tpu.memory_space<hbm>>
      %dma_start3A_268 = arith.constant 0 : i32
      %dma_start3A_269 = arith.constant 0 : i32
      %dma_start3A_270 = tpu.memref_slice %arg4[%add3A_258, %dma_start3A_268, %dma_start3A_269] : memref<4096x200x128xf32, #tpu.memory_space<hbm>> -> memref<1x200x128xf32, #tpu.memory_space<hbm>>
      %dma_start3A_271 = tpu.memref_squeeze %dma_start3A_270 : memref<1x200x128xf32, #tpu.memory_space<hbm>> -> memref<200x128xf32, #tpu.memory_space<hbm>>
      %dma_start3A_272 = arith.constant 0 : i32
      %dma_start3A_273 = arith.constant 0 : i32
      %dma_start3A_274 = tpu.memref_slice %arg6[%dma_start3A_259, %dma_start3A_272, %dma_start3A_273] : memref<4x200x128xf32, #tpu.memory_space<vmem>> -> memref<1x200x128xf32, #tpu.memory_space<vmem>>
      %dma_start3A_275 = tpu.memref_squeeze %dma_start3A_274 : memref<1x200x128xf32, #tpu.memory_space<vmem>> -> memref<200x128xf32, #tpu.memory_space<vmem>>
      tpu.enqueue_dma source(%dma_start3A_275 : memref<200x128xf32, #tpu.memory_space<vmem>>) target(%dma_start3A_271 : memref<200x128xf32, #tpu.memory_space<hbm>>) target_semaphore(%arg12 : memref<!tpu.dma_semaphore, #tpu.memory_space<semaphore_mem>>)
      %sub3A = arith.constant 1 : i32
      %sub3A_276 = arith.subi %add3A_246, %sub3A : i32
      %add3A_277 = arith.addi %mul3A_2, %sub3A_276 : i32
      %dma_wait3A_278 = arith.constant 0 : i32
      %dma_wait3A_279 = arith.constant 0 : i32
      %dma_wait3A_280 = arith.constant 0 : i32
      %dma_wait3A_281 = tpu.memref_slice %arg6[%dma_wait3A_278, %dma_wait3A_279, %dma_wait3A_280] : memref<4x200x128xf32, #tpu.memory_space<vmem>> -> memref<1x200x128xf32, #tpu.memory_space<vmem>>
      %dma_wait3A_282 = tpu.memref_squeeze %dma_wait3A_281 : memref<1x200x128xf32, #tpu.memory_space<vmem>> -> memref<200x128xf32, #tpu.memory_space<vmem>>
      %dma_wait3A_283 = arith.constant 0 : i32
      %dma_wait3A_284 = arith.constant 0 : i32
      %dma_wait3A_285 = tpu.memref_slice %arg4[%add3A_277, %dma_wait3A_283, %dma_wait3A_284] : memref<4096x200x128xf32, #tpu.memory_space<hbm>> -> memref<1x200x128xf32, #tpu.memory_space<hbm>>
      %dma_wait3A_286 = tpu.memref_squeeze %dma_wait3A_285 : memref<1x200x128xf32, #tpu.memory_space<hbm>> -> memref<200x128xf32, #tpu.memory_space<hbm>>
      %dma_wait3A_287 = arith.constant 0 : i32
      %dma_wait3A_288 = arith.constant 0 : i32
      %dma_wait3A_289 = tpu.memref_slice %arg4[%add3A_277, %dma_wait3A_287, %dma_wait3A_288] : memref<4096x200x128xf32, #tpu.memory_space<hbm>> -> memref<1x200x128xf32, #tpu.memory_space<hbm>>
      %dma_wait3A_290 = tpu.memref_squeeze %dma_wait3A_289 : memref<1x200x128xf32, #tpu.memory_space<hbm>> -> memref<200x128xf32, #tpu.memory_space<hbm>>
      %dma_wait3A_291 = arith.constant 0 : i32
      %dma_wait3A_292 = arith.constant 0 : i32
      %dma_wait3A_293 = tpu.memref_slice %arg6[%dma_wait3A_278, %dma_wait3A_291, %dma_wait3A_292] : memref<4x200x128xf32, #tpu.memory_space<vmem>> -> memref<1x200x128xf32, #tpu.memory_space<vmem>>
      %dma_wait3A_294 = tpu.memref_squeeze %dma_wait3A_293 : memref<1x200x128xf32, #tpu.memory_space<vmem>> -> memref<200x128xf32, #tpu.memory_space<vmem>>
      tpu.wait_dma2 semaphore(%arg11 : memref<!tpu.dma_semaphore, #tpu.memory_space<semaphore_mem>>) src(%dma_wait3A_294 : memref<200x128xf32, #tpu.memory_space<vmem>>) dst(%dma_wait3A_290 : memref<200x128xf32, #tpu.memory_space<hbm>>)
      %add3A_295 = arith.constant 3 : i32
      %add3A_296 = arith.addi %add3A_246, %add3A_295 : i32
      %mul3A_297 = arith.constant 200 : i32
      %mul3A_298 = arith.muli %add3A_296, %mul3A_297 : i32
      %dma_start3A_299 = arith.constant 0 : i32
      %dma_start3A_300 = arith.constant 0 : i32
      %dma_start3A_301 = arith.constant 0 : i32
      %dma_start3A_302 = tpu.memref_slice %arg6[%dma_start3A_299, %dma_start3A_300, %dma_start3A_301] : memref<4x200x128xf32, #tpu.memory_space<vmem>> -> memref<1x200x128xf32, #tpu.memory_space<vmem>>
      %dma_start3A_303 = tpu.memref_squeeze %dma_start3A_302 : memref<1x200x128xf32, #tpu.memory_space<vmem>> -> memref<200x128xf32, #tpu.memory_space<vmem>>
      %dma_start3A_304 = tpu.memref_slice %arg5[%mul3A_298] : memref<25600xi32, #tpu.memory_space<vmem>> -> memref<200xi32, #tpu.memory_space<vmem>>
      %dma_start3A_305 = arith.constant 0 : i32
      %dma_start3A_306 = arith.constant 0 : i32
      %dma_start3A_307 = tpu.memref_slice %arg2[%dma_start3A_305, %dma_start3A_306] : memref<8192x128xf32, #tpu.memory_space<hbm>> -> memref<8192x128xf32, #tpu.memory_space<hbm>>
      tpu.enqueue_indirect_dma source(%dma_start3A_307 : memref<8192x128xf32, #tpu.memory_space<hbm>>) target(%dma_start3A_303 : memref<200x128xf32, #tpu.memory_space<vmem>>) offsets(%dma_start3A_304 : memref<200xi32, #tpu.memory_space<vmem>>) semaphore(%arg7 : memref<!tpu.dma_semaphore, #tpu.memory_space<semaphore_mem>>)
      %mul3A_308 = arith.constant 4 : i32
      %mul3A_309 = arith.muli %mul3A_308, %scan3A_240 : i32
      %add3A_310 = arith.constant 1 : i32
      %add3A_311 = arith.addi %add3A_310, %mul3A_309 : i32
      %add3A_312 = arith.constant 1 : i32
      %add3A_313 = arith.addi %add3A_311, %add3A_312 : i32
      %mul3A_314 = arith.constant 200 : i32
      %mul3A_315 = arith.muli %add3A_313, %mul3A_314 : i32
      %dma_wait3A_316 = arith.constant 2 : i32
      %dma_wait3A_317 = arith.constant 0 : i32
      %dma_wait3A_318 = arith.constant 0 : i32
      %dma_wait3A_319 = tpu.memref_slice %arg6[%dma_wait3A_316, %dma_wait3A_317, %dma_wait3A_318] : memref<4x200x128xf32, #tpu.memory_space<vmem>> -> memref<1x200x128xf32, #tpu.memory_space<vmem>>
      %dma_wait3A_320 = tpu.memref_squeeze %dma_wait3A_319 : memref<1x200x128xf32, #tpu.memory_space<vmem>> -> memref<200x128xf32, #tpu.memory_space<vmem>>
      %dma_wait3A_321 = tpu.memref_slice %arg5[%mul3A_315] : memref<25600xi32, #tpu.memory_space<vmem>> -> memref<200xi32, #tpu.memory_space<vmem>>
      %dma_wait3A_322 = arith.constant 0 : i32
      %dma_wait3A_323 = arith.constant 0 : i32
      %dma_wait3A_324 = tpu.memref_slice %arg2[%dma_wait3A_322, %dma_wait3A_323] : memref<8192x128xf32, #tpu.memory_space<hbm>> -> memref<8192x128xf32, #tpu.memory_space<hbm>>
      tpu.wait_indirect_dma semaphore(%arg9 : memref<!tpu.dma_semaphore, #tpu.memory_space<semaphore_mem>>) src(%dma_wait3A_324 : memref<8192x128xf32, #tpu.memory_space<hbm>>) dst(%dma_wait3A_320 : memref<200x128xf32, #tpu.memory_space<vmem>>)
      %add3A_325 = arith.addi %mul3A_2, %add3A_313 : i32
      %dma_start3A_326 = arith.constant 2 : i32
      %dma_start3A_327 = arith.constant 0 : i32
      %dma_start3A_328 = arith.constant 0 : i32
      %dma_start3A_329 = tpu.memref_slice %arg6[%dma_start3A_326, %dma_start3A_327, %dma_start3A_328] : memref<4x200x128xf32, #tpu.memory_space<vmem>> -> memref<1x200x128xf32, #tpu.memory_space<vmem>>
      %dma_start3A_330 = tpu.memref_squeeze %dma_start3A_329 : memref<1x200x128xf32, #tpu.memory_space<vmem>> -> memref<200x128xf32, #tpu.memory_space<vmem>>
      %dma_start3A_331 = arith.constant 0 : i32
      %dma_start3A_332 = arith.constant 0 : i32
      %dma_start3A_333 = tpu.memref_slice %arg4[%add3A_325, %dma_start3A_331, %dma_start3A_332] : memref<4096x200x128xf32, #tpu.memory_space<hbm>> -> memref<1x200x128xf32, #tpu.memory_space<hbm>>
      %dma_start3A_334 = tpu.memref_squeeze %dma_start3A_333 : memref<1x200x128xf32, #tpu.memory_space<hbm>> -> memref<200x128xf32, #tpu.memory_space<hbm>>
      %dma_start3A_335 = arith.constant 0 : i32
      %dma_start3A_336 = arith.constant 0 : i32
      %dma_start3A_337 = tpu.memref_slice %arg4[%add3A_325, %dma_start3A_335, %dma_start3A_336] : memref<4096x200x128xf32, #tpu.memory_space<hbm>> -> memref<1x200x128xf32, #tpu.memory_space<hbm>>
      %dma_start3A_338 = tpu.memref_squeeze %dma_start3A_337 : memref<1x200x128xf32, #tpu.memory_space<hbm>> -> memref<200x128xf32, #tpu.memory_space<hbm>>
      %dma_start3A_339 = arith.constant 0 : i32
      %dma_start3A_340 = arith.constant 0 : i32
      %dma_start3A_341 = tpu.memref_slice %arg6[%dma_start3A_326, %dma_start3A_339, %dma_start3A_340] : memref<4x200x128xf32, #tpu.memory_space<vmem>> -> memref<1x200x128xf32, #tpu.memory_space<vmem>>
      %dma_start3A_342 = tpu.memref_squeeze %dma_start3A_341 : memref<1x200x128xf32, #tpu.memory_space<vmem>> -> memref<200x128xf32, #tpu.memory_space<vmem>>
      tpu.enqueue_dma source(%dma_start3A_342 : memref<200x128xf32, #tpu.memory_space<vmem>>) target(%dma_start3A_338 : memref<200x128xf32, #tpu.memory_space<hbm>>) target_semaphore(%arg13 : memref<!tpu.dma_semaphore, #tpu.memory_space<semaphore_mem>>)
      %sub3A_343 = arith.constant 1 : i32
      %sub3A_344 = arith.subi %add3A_313, %sub3A_343 : i32
      %add3A_345 = arith.addi %mul3A_2, %sub3A_344 : i32
      %dma_wait3A_346 = arith.constant 1 : i32
      %dma_wait3A_347 = arith.constant 0 : i32
      %dma_wait3A_348 = arith.constant 0 : i32
      %dma_wait3A_349 = tpu.memref_slice %arg6[%dma_wait3A_346, %dma_wait3A_347, %dma_wait3A_348] : memref<4x200x128xf32, #tpu.memory_space<vmem>> -> memref<1x200x128xf32, #tpu.memory_space<vmem>>
      %dma_wait3A_350 = tpu.memref_squeeze %dma_wait3A_349 : memref<1x200x128xf32, #tpu.memory_space<vmem>> -> memref<200x128xf32, #tpu.memory_space<vmem>>
      %dma_wait3A_351 = arith.constant 0 : i32
      %dma_wait3A_352 = arith.constant 0 : i32
      %dma_wait3A_353 = tpu.memref_slice %arg4[%add3A_345, %dma_wait3A_351, %dma_wait3A_352] : memref<4096x200x128xf32, #tpu.memory_space<hbm>> -> memref<1x200x128xf32, #tpu.memory_space<hbm>>
      %dma_wait3A_354 = tpu.memref_squeeze %dma_wait3A_353 : memref<1x200x128xf32, #tpu.memory_space<hbm>> -> memref<200x128xf32, #tpu.memory_space<hbm>>
      %dma_wait3A_355 = arith.constant 0 : i32
      %dma_wait3A_356 = arith.constant 0 : i32
      %dma_wait3A_357 = tpu.memref_slice %arg4[%add3A_345, %dma_wait3A_355, %dma_wait3A_356] : memref<4096x200x128xf32, #tpu.memory_space<hbm>> -> memref<1x200x128xf32, #tpu.memory_space<hbm>>
      %dma_wait3A_358 = tpu.memref_squeeze %dma_wait3A_357 : memref<1x200x128xf32, #tpu.memory_space<hbm>> -> memref<200x128xf32, #tpu.memory_space<hbm>>
      %dma_wait3A_359 = arith.constant 0 : i32
      %dma_wait3A_360 = arith.constant 0 : i32
      %dma_wait3A_361 = tpu.memref_slice %arg6[%dma_wait3A_346, %dma_wait3A_359, %dma_wait3A_360] : memref<4x200x128xf32, #tpu.memory_space<vmem>> -> memref<1x200x128xf32, #tpu.memory_space<vmem>>
      %dma_wait3A_362 = tpu.memref_squeeze %dma_wait3A_361 : memref<1x200x128xf32, #tpu.memory_space<vmem>> -> memref<200x128xf32, #tpu.memory_space<vmem>>
      tpu.wait_dma2 semaphore(%arg12 : memref<!tpu.dma_semaphore, #tpu.memory_space<semaphore_mem>>) src(%dma_wait3A_362 : memref<200x128xf32, #tpu.memory_space<vmem>>) dst(%dma_wait3A_358 : memref<200x128xf32, #tpu.memory_space<hbm>>)
      %add3A_363 = arith.constant 3 : i32
      %add3A_364 = arith.addi %add3A_313, %add3A_363 : i32
      %mul3A_365 = arith.constant 200 : i32
      %mul3A_366 = arith.muli %add3A_364, %mul3A_365 : i32
      %dma_start3A_367 = arith.constant 1 : i32
      %dma_start3A_368 = arith.constant 0 : i32
      %dma_start3A_369 = arith.constant 0 : i32
      %dma_start3A_370 = tpu.memref_slice %arg6[%dma_start3A_367, %dma_start3A_368, %dma_start3A_369] : memref<4x200x128xf32, #tpu.memory_space<vmem>> -> memref<1x200x128xf32, #tpu.memory_space<vmem>>
      %dma_start3A_371 = tpu.memref_squeeze %dma_start3A_370 : memref<1x200x128xf32, #tpu.memory_space<vmem>> -> memref<200x128xf32, #tpu.memory_space<vmem>>
      %dma_start3A_372 = tpu.memref_slice %arg5[%mul3A_366] : memref<25600xi32, #tpu.memory_space<vmem>> -> memref<200xi32, #tpu.memory_space<vmem>>
      %dma_start3A_373 = arith.constant 0 : i32
      %dma_start3A_374 = arith.constant 0 : i32
      %dma_start3A_375 = tpu.memref_slice %arg2[%dma_start3A_373, %dma_start3A_374] : memref<8192x128xf32, #tpu.memory_space<hbm>> -> memref<8192x128xf32, #tpu.memory_space<hbm>>
      tpu.enqueue_indirect_dma source(%dma_start3A_375 : memref<8192x128xf32, #tpu.memory_space<hbm>>) target(%dma_start3A_371 : memref<200x128xf32, #tpu.memory_space<vmem>>) offsets(%dma_start3A_372 : memref<200xi32, #tpu.memory_space<vmem>>) semaphore(%arg8 : memref<!tpu.dma_semaphore, #tpu.memory_space<semaphore_mem>>)
      %mul3A_376 = arith.constant 4 : i32
      %mul3A_377 = arith.muli %mul3A_376, %scan3A_240 : i32
      %add3A_378 = arith.constant 1 : i32
      %add3A_379 = arith.addi %add3A_378, %mul3A_377 : i32
      %add3A_380 = arith.constant 2 : i32
      %add3A_381 = arith.addi %add3A_379, %add3A_380 : i32
      %mul3A_382 = arith.constant 200 : i32
      %mul3A_383 = arith.muli %add3A_381, %mul3A_382 : i32
      %dma_wait3A_384 = arith.constant 3 : i32
      %dma_wait3A_385 = arith.constant 0 : i32
      %dma_wait3A_386 = arith.constant 0 : i32
      %dma_wait3A_387 = tpu.memref_slice %arg6[%dma_wait3A_384, %dma_wait3A_385, %dma_wait3A_386] : memref<4x200x128xf32, #tpu.memory_space<vmem>> -> memref<1x200x128xf32, #tpu.memory_space<vmem>>
      %dma_wait3A_388 = tpu.memref_squeeze %dma_wait3A_387 : memref<1x200x128xf32, #tpu.memory_space<vmem>> -> memref<200x128xf32, #tpu.memory_space<vmem>>
      %dma_wait3A_389 = tpu.memref_slice %arg5[%mul3A_383] : memref<25600xi32, #tpu.memory_space<vmem>> -> memref<200xi32, #tpu.memory_space<vmem>>
      %dma_wait3A_390 = arith.constant 0 : i32
      %dma_wait3A_391 = arith.constant 0 : i32
      %dma_wait3A_392 = tpu.memref_slice %arg2[%dma_wait3A_390, %dma_wait3A_391] : memref<8192x128xf32, #tpu.memory_space<hbm>> -> memref<8192x128xf32, #tpu.memory_space<hbm>>
      tpu.wait_indirect_dma semaphore(%arg10 : memref<!tpu.dma_semaphore, #tpu.memory_space<semaphore_mem>>) src(%dma_wait3A_392 : memref<8192x128xf32, #tpu.memory_space<hbm>>) dst(%dma_wait3A_388 : memref<200x128xf32, #tpu.memory_space<vmem>>)
      %add3A_393 = arith.addi %mul3A_2, %add3A_381 : i32
      %dma_start3A_394 = arith.constant 3 : i32
      %dma_start3A_395 = arith.constant 0 : i32
      %dma_start3A_396 = arith.constant 0 : i32
      %dma_start3A_397 = tpu.memref_slice %arg6[%dma_start3A_394, %dma_start3A_395, %dma_start3A_396] : memref<4x200x128xf32, #tpu.memory_space<vmem>> -> memref<1x200x128xf32, #tpu.memory_space<vmem>>
      %dma_start3A_398 = tpu.memref_squeeze %dma_start3A_397 : memref<1x200x128xf32, #tpu.memory_space<vmem>> -> memref<200x128xf32, #tpu.memory_space<vmem>>
      %dma_start3A_399 = arith.constant 0 : i32
      %dma_start3A_400 = arith.constant 0 : i32
      %dma_start3A_401 = tpu.memref_slice %arg4[%add3A_393, %dma_start3A_399, %dma_start3A_400] : memref<4096x200x128xf32, #tpu.memory_space<hbm>> -> memref<1x200x128xf32, #tpu.memory_space<hbm>>
      %dma_start3A_402 = tpu.memref_squeeze %dma_start3A_401 : memref<1x200x128xf32, #tpu.memory_space<hbm>> -> memref<200x128xf32, #tpu.memory_space<hbm>>
      %dma_start3A_403 = arith.constant 0 : i32
      %dma_start3A_404 = arith.constant 0 : i32
      %dma_start3A_405 = tpu.memref_slice %arg4[%add3A_393, %dma_start3A_403, %dma_start3A_404] : memref<4096x200x128xf32, #tpu.memory_space<hbm>> -> memref<1x200x128xf32, #tpu.memory_space<hbm>>
      %dma_start3A_406 = tpu.memref_squeeze %dma_start3A_405 : memref<1x200x128xf32, #tpu.memory_space<hbm>> -> memref<200x128xf32, #tpu.memory_space<hbm>>
      %dma_start3A_407 = arith.constant 0 : i32
      %dma_start3A_408 = arith.constant 0 : i32
      %dma_start3A_409 = tpu.memref_slice %arg6[%dma_start3A_394, %dma_start3A_407, %dma_start3A_408] : memref<4x200x128xf32, #tpu.memory_space<vmem>> -> memref<1x200x128xf32, #tpu.memory_space<vmem>>
      %dma_start3A_410 = tpu.memref_squeeze %dma_start3A_409 : memref<1x200x128xf32, #tpu.memory_space<vmem>> -> memref<200x128xf32, #tpu.memory_space<vmem>>
      tpu.enqueue_dma source(%dma_start3A_410 : memref<200x128xf32, #tpu.memory_space<vmem>>) target(%dma_start3A_406 : memref<200x128xf32, #tpu.memory_space<hbm>>) target_semaphore(%arg14 : memref<!tpu.dma_semaphore, #tpu.memory_space<semaphore_mem>>)
      %sub3A_411 = arith.constant 1 : i32
      %sub3A_412 = arith.subi %add3A_381, %sub3A_411 : i32
      %add3A_413 = arith.addi %mul3A_2, %sub3A_412 : i32
      %dma_wait3A_414 = arith.constant 2 : i32
      %dma_wait3A_415 = arith.constant 0 : i32
      %dma_wait3A_416 = arith.constant 0 : i32
      %dma_wait3A_417 = tpu.memref_slice %arg6[%dma_wait3A_414, %dma_wait3A_415, %dma_wait3A_416] : memref<4x200x128xf32, #tpu.memory_space<vmem>> -> memref<1x200x128xf32, #tpu.memory_space<vmem>>
      %dma_wait3A_418 = tpu.memref_squeeze %dma_wait3A_417 : memref<1x200x128xf32, #tpu.memory_space<vmem>> -> memref<200x128xf32, #tpu.memory_space<vmem>>
      %dma_wait3A_419 = arith.constant 0 : i32
      %dma_wait3A_420 = arith.constant 0 : i32
      %dma_wait3A_421 = tpu.memref_slice %arg4[%add3A_413, %dma_wait3A_419, %dma_wait3A_420] : memref<4096x200x128xf32, #tpu.memory_space<hbm>> -> memref<1x200x128xf32, #tpu.memory_space<hbm>>
      %dma_wait3A_422 = tpu.memref_squeeze %dma_wait3A_421 : memref<1x200x128xf32, #tpu.memory_space<hbm>> -> memref<200x128xf32, #tpu.memory_space<hbm>>
      %dma_wait3A_423 = arith.constant 0 : i32
      %dma_wait3A_424 = arith.constant 0 : i32
      %dma_wait3A_425 = tpu.memref_slice %arg4[%add3A_413, %dma_wait3A_423, %dma_wait3A_424] : memref<4096x200x128xf32, #tpu.memory_space<hbm>> -> memref<1x200x128xf32, #tpu.memory_space<hbm>>
      %dma_wait3A_426 = tpu.memref_squeeze %dma_wait3A_425 : memref<1x200x128xf32, #tpu.memory_space<hbm>> -> memref<200x128xf32, #tpu.memory_space<hbm>>
      %dma_wait3A_427 = arith.constant 0 : i32
      %dma_wait3A_428 = arith.constant 0 : i32
      %dma_wait3A_429 = tpu.memref_slice %arg6[%dma_wait3A_414, %dma_wait3A_427, %dma_wait3A_428] : memref<4x200x128xf32, #tpu.memory_space<vmem>> -> memref<1x200x128xf32, #tpu.memory_space<vmem>>
      %dma_wait3A_430 = tpu.memref_squeeze %dma_wait3A_429 : memref<1x200x128xf32, #tpu.memory_space<vmem>> -> memref<200x128xf32, #tpu.memory_space<vmem>>
      tpu.wait_dma2 semaphore(%arg13 : memref<!tpu.dma_semaphore, #tpu.memory_space<semaphore_mem>>) src(%dma_wait3A_430 : memref<200x128xf32, #tpu.memory_space<vmem>>) dst(%dma_wait3A_426 : memref<200x128xf32, #tpu.memory_space<hbm>>)
      %add3A_431 = arith.constant 3 : i32
      %add3A_432 = arith.addi %add3A_381, %add3A_431 : i32
      %mul3A_433 = arith.constant 200 : i32
      %mul3A_434 = arith.muli %add3A_432, %mul3A_433 : i32
      %dma_start3A_435 = arith.constant 2 : i32
      %dma_start3A_436 = arith.constant 0 : i32
      %dma_start3A_437 = arith.constant 0 : i32
      %dma_start3A_438 = tpu.memref_slice %arg6[%dma_start3A_435, %dma_start3A_436, %dma_start3A_437] : memref<4x200x128xf32, #tpu.memory_space<vmem>> -> memref<1x200x128xf32, #tpu.memory_space<vmem>>
      %dma_start3A_439 = tpu.memref_squeeze %dma_start3A_438 : memref<1x200x128xf32, #tpu.memory_space<vmem>> -> memref<200x128xf32, #tpu.memory_space<vmem>>
      %dma_start3A_440 = tpu.memref_slice %arg5[%mul3A_434] : memref<25600xi32, #tpu.memory_space<vmem>> -> memref<200xi32, #tpu.memory_space<vmem>>
      %dma_start3A_441 = arith.constant 0 : i32
      %dma_start3A_442 = arith.constant 0 : i32
      %dma_start3A_443 = tpu.memref_slice %arg2[%dma_start3A_441, %dma_start3A_442] : memref<8192x128xf32, #tpu.memory_space<hbm>> -> memref<8192x128xf32, #tpu.memory_space<hbm>>
      tpu.enqueue_indirect_dma source(%dma_start3A_443 : memref<8192x128xf32, #tpu.memory_space<hbm>>) target(%dma_start3A_439 : memref<200x128xf32, #tpu.memory_space<vmem>>) offsets(%dma_start3A_440 : memref<200xi32, #tpu.memory_space<vmem>>) semaphore(%arg9 : memref<!tpu.dma_semaphore, #tpu.memory_space<semaphore_mem>>)
      %mul3A_444 = arith.constant 4 : i32
      %mul3A_445 = arith.muli %mul3A_444, %scan3A_240 : i32
      %add3A_446 = arith.constant 1 : i32
      %add3A_447 = arith.addi %add3A_446, %mul3A_445 : i32
      %add3A_448 = arith.constant 3 : i32
      %add3A_449 = arith.addi %add3A_447, %add3A_448 : i32
      %mul3A_450 = arith.constant 200 : i32
      %mul3A_451 = arith.muli %add3A_449, %mul3A_450 : i32
      %dma_wait3A_452 = arith.constant 0 : i32
      %dma_wait3A_453 = arith.constant 0 : i32
      %dma_wait3A_454 = arith.constant 0 : i32
      %dma_wait3A_455 = tpu.memref_slice %arg6[%dma_wait3A_452, %dma_wait3A_453, %dma_wait3A_454] : memref<4x200x128xf32, #tpu.memory_space<vmem>> -> memref<1x200x128xf32, #tpu.memory_space<vmem>>
      %dma_wait3A_456 = tpu.memref_squeeze %dma_wait3A_455 : memref<1x200x128xf32, #tpu.memory_space<vmem>> -> memref<200x128xf32, #tpu.memory_space<vmem>>
      %dma_wait3A_457 = tpu.memref_slice %arg5[%mul3A_451] : memref<25600xi32, #tpu.memory_space<vmem>> -> memref<200xi32, #tpu.memory_space<vmem>>
      %dma_wait3A_458 = arith.constant 0 : i32
      %dma_wait3A_459 = arith.constant 0 : i32
      %dma_wait3A_460 = tpu.memref_slice %arg2[%dma_wait3A_458, %dma_wait3A_459] : memref<8192x128xf32, #tpu.memory_space<hbm>> -> memref<8192x128xf32, #tpu.memory_space<hbm>>
      tpu.wait_indirect_dma semaphore(%arg7 : memref<!tpu.dma_semaphore, #tpu.memory_space<semaphore_mem>>) src(%dma_wait3A_460 : memref<8192x128xf32, #tpu.memory_space<hbm>>) dst(%dma_wait3A_456 : memref<200x128xf32, #tpu.memory_space<vmem>>)
      %add3A_461 = arith.addi %mul3A_2, %add3A_449 : i32
      %dma_start3A_462 = arith.constant 0 : i32
      %dma_start3A_463 = arith.constant 0 : i32
      %dma_start3A_464 = arith.constant 0 : i32
      %dma_start3A_465 = tpu.memref_slice %arg6[%dma_start3A_462, %dma_start3A_463, %dma_start3A_464] : memref<4x200x128xf32, #tpu.memory_space<vmem>> -> memref<1x200x128xf32, #tpu.memory_space<vmem>>
      %dma_start3A_466 = tpu.memref_squeeze %dma_start3A_465 : memref<1x200x128xf32, #tpu.memory_space<vmem>> -> memref<200x128xf32, #tpu.memory_space<vmem>>
      %dma_start3A_467 = arith.constant 0 : i32
      %dma_start3A_468 = arith.constant 0 : i32
      %dma_start3A_469 = tpu.memref_slice %arg4[%add3A_461, %dma_start3A_467, %dma_start3A_468] : memref<4096x200x128xf32, #tpu.memory_space<hbm>> -> memref<1x200x128xf32, #tpu.memory_space<hbm>>
      %dma_start3A_470 = tpu.memref_squeeze %dma_start3A_469 : memref<1x200x128xf32, #tpu.memory_space<hbm>> -> memref<200x128xf32, #tpu.memory_space<hbm>>
      %dma_start3A_471 = arith.constant 0 : i32
      %dma_start3A_472 = arith.constant 0 : i32
      %dma_start3A_473 = tpu.memref_slice %arg4[%add3A_461, %dma_start3A_471, %dma_start3A_472] : memref<4096x200x128xf32, #tpu.memory_space<hbm>> -> memref<1x200x128xf32, #tpu.memory_space<hbm>>
      %dma_start3A_474 = tpu.memref_squeeze %dma_start3A_473 : memref<1x200x128xf32, #tpu.memory_space<hbm>> -> memref<200x128xf32, #tpu.memory_space<hbm>>
      %dma_start3A_475 = arith.constant 0 : i32
      %dma_start3A_476 = arith.constant 0 : i32
      %dma_start3A_477 = tpu.memref_slice %arg6[%dma_start3A_462, %dma_start3A_475, %dma_start3A_476] : memref<4x200x128xf32, #tpu.memory_space<vmem>> -> memref<1x200x128xf32, #tpu.memory_space<vmem>>
      %dma_start3A_478 = tpu.memref_squeeze %dma_start3A_477 : memref<1x200x128xf32, #tpu.memory_space<vmem>> -> memref<200x128xf32, #tpu.memory_space<vmem>>
      tpu.enqueue_dma source(%dma_start3A_478 : memref<200x128xf32, #tpu.memory_space<vmem>>) target(%dma_start3A_474 : memref<200x128xf32, #tpu.memory_space<hbm>>) target_semaphore(%arg11 : memref<!tpu.dma_semaphore, #tpu.memory_space<semaphore_mem>>)
      %sub3A_479 = arith.constant 1 : i32
      %sub3A_480 = arith.subi %add3A_449, %sub3A_479 : i32
      %add3A_481 = arith.addi %mul3A_2, %sub3A_480 : i32
      %dma_wait3A_482 = arith.constant 3 : i32
      %dma_wait3A_483 = arith.constant 0 : i32
      %dma_wait3A_484 = arith.constant 0 : i32
      %dma_wait3A_485 = tpu.memref_slice %arg6[%dma_wait3A_482, %dma_wait3A_483, %dma_wait3A_484] : memref<4x200x128xf32, #tpu.memory_space<vmem>> -> memref<1x200x128xf32, #tpu.memory_space<vmem>>
      %dma_wait3A_486 = tpu.memref_squeeze %dma_wait3A_485 : memref<1x200x128xf32, #tpu.memory_space<vmem>> -> memref<200x128xf32, #tpu.memory_space<vmem>>
      %dma_wait3A_487 = arith.constant 0 : i32
      %dma_wait3A_488 = arith.constant 0 : i32
      %dma_wait3A_489 = tpu.memref_slice %arg4[%add3A_481, %dma_wait3A_487, %dma_wait3A_488] : memref<4096x200x128xf32, #tpu.memory_space<hbm>> -> memref<1x200x128xf32, #tpu.memory_space<hbm>>
      %dma_wait3A_490 = tpu.memref_squeeze %dma_wait3A_489 : memref<1x200x128xf32, #tpu.memory_space<hbm>> -> memref<200x128xf32, #tpu.memory_space<hbm>>
      %dma_wait3A_491 = arith.constant 0 : i32
      %dma_wait3A_492 = arith.constant 0 : i32
      %dma_wait3A_493 = tpu.memref_slice %arg4[%add3A_481, %dma_wait3A_491, %dma_wait3A_492] : memref<4096x200x128xf32, #tpu.memory_space<hbm>> -> memref<1x200x128xf32, #tpu.memory_space<hbm>>
      %dma_wait3A_494 = tpu.memref_squeeze %dma_wait3A_493 : memref<1x200x128xf32, #tpu.memory_space<hbm>> -> memref<200x128xf32, #tpu.memory_space<hbm>>
      %dma_wait3A_495 = arith.constant 0 : i32
      %dma_wait3A_496 = arith.constant 0 : i32
      %dma_wait3A_497 = tpu.memref_slice %arg6[%dma_wait3A_482, %dma_wait3A_495, %dma_wait3A_496] : memref<4x200x128xf32, #tpu.memory_space<vmem>> -> memref<1x200x128xf32, #tpu.memory_space<vmem>>
      %dma_wait3A_498 = tpu.memref_squeeze %dma_wait3A_497 : memref<1x200x128xf32, #tpu.memory_space<vmem>> -> memref<200x128xf32, #tpu.memory_space<vmem>>
      tpu.wait_dma2 semaphore(%arg14 : memref<!tpu.dma_semaphore, #tpu.memory_space<semaphore_mem>>) src(%dma_wait3A_498 : memref<200x128xf32, #tpu.memory_space<vmem>>) dst(%dma_wait3A_494 : memref<200x128xf32, #tpu.memory_space<hbm>>)
      %add3A_499 = arith.constant 3 : i32
      %add3A_500 = arith.addi %add3A_449, %add3A_499 : i32
      %mul3A_501 = arith.constant 200 : i32
      %mul3A_502 = arith.muli %add3A_500, %mul3A_501 : i32
      %dma_start3A_503 = arith.constant 3 : i32
      %dma_start3A_504 = arith.constant 0 : i32
      %dma_start3A_505 = arith.constant 0 : i32
      %dma_start3A_506 = tpu.memref_slice %arg6[%dma_start3A_503, %dma_start3A_504, %dma_start3A_505] : memref<4x200x128xf32, #tpu.memory_space<vmem>> -> memref<1x200x128xf32, #tpu.memory_space<vmem>>
      %dma_start3A_507 = tpu.memref_squeeze %dma_start3A_506 : memref<1x200x128xf32, #tpu.memory_space<vmem>> -> memref<200x128xf32, #tpu.memory_space<vmem>>
      %dma_start3A_508 = tpu.memref_slice %arg5[%mul3A_502] : memref<25600xi32, #tpu.memory_space<vmem>> -> memref<200xi32, #tpu.memory_space<vmem>>
      %dma_start3A_509 = arith.constant 0 : i32
      %dma_start3A_510 = arith.constant 0 : i32
      %dma_start3A_511 = tpu.memref_slice %arg2[%dma_start3A_509, %dma_start3A_510] : memref<8192x128xf32, #tpu.memory_space<hbm>> -> memref<8192x128xf32, #tpu.memory_space<hbm>>
      tpu.enqueue_indirect_dma source(%dma_start3A_511 : memref<8192x128xf32, #tpu.memory_space<hbm>>) target(%dma_start3A_507 : memref<200x128xf32, #tpu.memory_space<vmem>>) offsets(%dma_start3A_508 : memref<200xi32, #tpu.memory_space<vmem>>) semaphore(%arg10 : memref<!tpu.dma_semaphore, #tpu.memory_space<semaphore_mem>>)
    }
    %scan3A_76 = arith.constant 31 : i32
    %dma_wait3A_77 = arith.constant 1 : i32
    %dma_wait3A_78 = arith.constant 0 : i32
    %dma_wait3A_79 = arith.constant 0 : i32
    %dma_wait3A_80 = tpu.memref_slice %arg6[%dma_wait3A_77, %dma_wait3A_78, %dma_wait3A_79] : memref<4x200x128xf32, #tpu.memory_space<vmem>> -> memref<1x200x128xf32, #tpu.memory_space<vmem>>
    %dma_wait3A_81 = tpu.memref_squeeze %dma_wait3A_80 : memref<1x200x128xf32, #tpu.memory_space<vmem>> -> memref<200x128xf32, #tpu.memory_space<vmem>>
    %dma_wait3A_82 = arith.constant 25000 : i32
    %dma_wait3A_83 = tpu.memref_slice %arg5[%dma_wait3A_82] : memref<25600xi32, #tpu.memory_space<vmem>> -> memref<200xi32, #tpu.memory_space<vmem>>
    %dma_wait3A_84 = arith.constant 0 : i32
    %dma_wait3A_85 = arith.constant 0 : i32
    %dma_wait3A_86 = tpu.memref_slice %arg2[%dma_wait3A_84, %dma_wait3A_85] : memref<8192x128xf32, #tpu.memory_space<hbm>> -> memref<8192x128xf32, #tpu.memory_space<hbm>>
    tpu.wait_indirect_dma semaphore(%arg8 : memref<!tpu.dma_semaphore, #tpu.memory_space<semaphore_mem>>) src(%dma_wait3A_86 : memref<8192x128xf32, #tpu.memory_space<hbm>>) dst(%dma_wait3A_81 : memref<200x128xf32, #tpu.memory_space<vmem>>)
    %add3A_87 = arith.constant 125 : i32
    %add3A_88 = arith.addi %mul3A_2, %add3A_87 : i32
    %dma_start3A_89 = arith.constant 1 : i32
    %dma_start3A_90 = arith.constant 0 : i32
    %dma_start3A_91 = arith.constant 0 : i32
    %dma_start3A_92 = tpu.memref_slice %arg6[%dma_start3A_89, %dma_start3A_90, %dma_start3A_91] : memref<4x200x128xf32, #tpu.memory_space<vmem>> -> memref<1x200x128xf32, #tpu.memory_space<vmem>>
    %dma_start3A_93 = tpu.memref_squeeze %dma_start3A_92 : memref<1x200x128xf32, #tpu.memory_space<vmem>> -> memref<200x128xf32, #tpu.memory_space<vmem>>
    %dma_start3A_94 = arith.constant 0 : i32
    %dma_start3A_95 = arith.constant 0 : i32
    %dma_start3A_96 = tpu.memref_slice %arg4[%add3A_88, %dma_start3A_94, %dma_start3A_95] : memref<4096x200x128xf32, #tpu.memory_space<hbm>> -> memref<1x200x128xf32, #tpu.memory_space<hbm>>
    %dma_start3A_97 = tpu.memref_squeeze %dma_start3A_96 : memref<1x200x128xf32, #tpu.memory_space<hbm>> -> memref<200x128xf32, #tpu.memory_space<hbm>>
    %dma_start3A_98 = arith.constant 0 : i32
    %dma_start3A_99 = arith.constant 0 : i32
    %dma_start3A_100 = tpu.memref_slice %arg4[%add3A_88, %dma_start3A_98, %dma_start3A_99] : memref<4096x200x128xf32, #tpu.memory_space<hbm>> -> memref<1x200x128xf32, #tpu.memory_space<hbm>>
    %dma_start3A_101 = tpu.memref_squeeze %dma_start3A_100 : memref<1x200x128xf32, #tpu.memory_space<hbm>> -> memref<200x128xf32, #tpu.memory_space<hbm>>
    %dma_start3A_102 = arith.constant 0 : i32
    %dma_start3A_103 = arith.constant 0 : i32
    %dma_start3A_104 = tpu.memref_slice %arg6[%dma_start3A_89, %dma_start3A_102, %dma_start3A_103] : memref<4x200x128xf32, #tpu.memory_space<vmem>> -> memref<1x200x128xf32, #tpu.memory_space<vmem>>
    %dma_start3A_105 = tpu.memref_squeeze %dma_start3A_104 : memref<1x200x128xf32, #tpu.memory_space<vmem>> -> memref<200x128xf32, #tpu.memory_space<vmem>>
    tpu.enqueue_dma source(%dma_start3A_105 : memref<200x128xf32, #tpu.memory_space<vmem>>) target(%dma_start3A_101 : memref<200x128xf32, #tpu.memory_space<hbm>>) target_semaphore(%arg12 : memref<!tpu.dma_semaphore, #tpu.memory_space<semaphore_mem>>)
    %add3A_106 = arith.constant 124 : i32
    %add3A_107 = arith.addi %mul3A_2, %add3A_106 : i32
    %dma_wait3A_108 = arith.constant 0 : i32
    %dma_wait3A_109 = arith.constant 0 : i32
    %dma_wait3A_110 = arith.constant 0 : i32
    %dma_wait3A_111 = tpu.memref_slice %arg6[%dma_wait3A_108, %dma_wait3A_109, %dma_wait3A_110] : memref<4x200x128xf32, #tpu.memory_space<vmem>> -> memref<1x200x128xf32, #tpu.memory_space<vmem>>
    %dma_wait3A_112 = tpu.memref_squeeze %dma_wait3A_111 : memref<1x200x128xf32, #tpu.memory_space<vmem>> -> memref<200x128xf32, #tpu.memory_space<vmem>>
    %dma_wait3A_113 = arith.constant 0 : i32
    %dma_wait3A_114 = arith.constant 0 : i32
    %dma_wait3A_115 = tpu.memref_slice %arg4[%add3A_107, %dma_wait3A_113, %dma_wait3A_114] : memref<4096x200x128xf32, #tpu.memory_space<hbm>> -> memref<1x200x128xf32, #tpu.memory_space<hbm>>
    %dma_wait3A_116 = tpu.memref_squeeze %dma_wait3A_115 : memref<1x200x128xf32, #tpu.memory_space<hbm>> -> memref<200x128xf32, #tpu.memory_space<hbm>>
    %dma_wait3A_117 = arith.constant 0 : i32
    %dma_wait3A_118 = arith.constant 0 : i32
    %dma_wait3A_119 = tpu.memref_slice %arg4[%add3A_107, %dma_wait3A_117, %dma_wait3A_118] : memref<4096x200x128xf32, #tpu.memory_space<hbm>> -> memref<1x200x128xf32, #tpu.memory_space<hbm>>
    %dma_wait3A_120 = tpu.memref_squeeze %dma_wait3A_119 : memref<1x200x128xf32, #tpu.memory_space<hbm>> -> memref<200x128xf32, #tpu.memory_space<hbm>>
    %dma_wait3A_121 = arith.constant 0 : i32
    %dma_wait3A_122 = arith.constant 0 : i32
    %dma_wait3A_123 = tpu.memref_slice %arg6[%dma_wait3A_108, %dma_wait3A_121, %dma_wait3A_122] : memref<4x200x128xf32, #tpu.memory_space<vmem>> -> memref<1x200x128xf32, #tpu.memory_space<vmem>>
    %dma_wait3A_124 = tpu.memref_squeeze %dma_wait3A_123 : memref<1x200x128xf32, #tpu.memory_space<vmem>> -> memref<200x128xf32, #tpu.memory_space<vmem>>
    tpu.wait_dma2 semaphore(%arg11 : memref<!tpu.dma_semaphore, #tpu.memory_space<semaphore_mem>>) src(%dma_wait3A_124 : memref<200x128xf32, #tpu.memory_space<vmem>>) dst(%dma_wait3A_120 : memref<200x128xf32, #tpu.memory_space<hbm>>)
    %dma_wait3A_125 = arith.constant 2 : i32
    %dma_wait3A_126 = arith.constant 0 : i32
    %dma_wait3A_127 = arith.constant 0 : i32
    %dma_wait3A_128 = tpu.memref_slice %arg6[%dma_wait3A_125, %dma_wait3A_126, %dma_wait3A_127] : memref<4x200x128xf32, #tpu.memory_space<vmem>> -> memref<1x200x128xf32, #tpu.memory_space<vmem>>
    %dma_wait3A_129 = tpu.memref_squeeze %dma_wait3A_128 : memref<1x200x128xf32, #tpu.memory_space<vmem>> -> memref<200x128xf32, #tpu.memory_space<vmem>>
    %dma_wait3A_130 = arith.constant 25200 : i32
    %dma_wait3A_131 = tpu.memref_slice %arg5[%dma_wait3A_130] : memref<25600xi32, #tpu.memory_space<vmem>> -> memref<200xi32, #tpu.memory_space<vmem>>
    %dma_wait3A_132 = arith.constant 0 : i32
    %dma_wait3A_133 = arith.constant 0 : i32
    %dma_wait3A_134 = tpu.memref_slice %arg2[%dma_wait3A_132, %dma_wait3A_133] : memref<8192x128xf32, #tpu.memory_space<hbm>> -> memref<8192x128xf32, #tpu.memory_space<hbm>>
    tpu.wait_indirect_dma semaphore(%arg9 : memref<!tpu.dma_semaphore, #tpu.memory_space<semaphore_mem>>) src(%dma_wait3A_134 : memref<8192x128xf32, #tpu.memory_space<hbm>>) dst(%dma_wait3A_129 : memref<200x128xf32, #tpu.memory_space<vmem>>)
    %add3A_135 = arith.constant 126 : i32
    %add3A_136 = arith.addi %mul3A_2, %add3A_135 : i32
    %dma_start3A_137 = arith.constant 2 : i32
    %dma_start3A_138 = arith.constant 0 : i32
    %dma_start3A_139 = arith.constant 0 : i32
    %dma_start3A_140 = tpu.memref_slice %arg6[%dma_start3A_137, %dma_start3A_138, %dma_start3A_139] : memref<4x200x128xf32, #tpu.memory_space<vmem>> -> memref<1x200x128xf32, #tpu.memory_space<vmem>>
    %dma_start3A_141 = tpu.memref_squeeze %dma_start3A_140 : memref<1x200x128xf32, #tpu.memory_space<vmem>> -> memref<200x128xf32, #tpu.memory_space<vmem>>
    %dma_start3A_142 = arith.constant 0 : i32
    %dma_start3A_143 = arith.constant 0 : i32
    %dma_start3A_144 = tpu.memref_slice %arg4[%add3A_136, %dma_start3A_142, %dma_start3A_143] : memref<4096x200x128xf32, #tpu.memory_space<hbm>> -> memref<1x200x128xf32, #tpu.memory_space<hbm>>
    %dma_start3A_145 = tpu.memref_squeeze %dma_start3A_144 : memref<1x200x128xf32, #tpu.memory_space<hbm>> -> memref<200x128xf32, #tpu.memory_space<hbm>>
    %dma_start3A_146 = arith.constant 0 : i32
    %dma_start3A_147 = arith.constant 0 : i32
    %dma_start3A_148 = tpu.memref_slice %arg4[%add3A_136, %dma_start3A_146, %dma_start3A_147] : memref<4096x200x128xf32, #tpu.memory_space<hbm>> -> memref<1x200x128xf32, #tpu.memory_space<hbm>>
    %dma_start3A_149 = tpu.memref_squeeze %dma_start3A_148 : memref<1x200x128xf32, #tpu.memory_space<hbm>> -> memref<200x128xf32, #tpu.memory_space<hbm>>
    %dma_start3A_150 = arith.constant 0 : i32
    %dma_start3A_151 = arith.constant 0 : i32
    %dma_start3A_152 = tpu.memref_slice %arg6[%dma_start3A_137, %dma_start3A_150, %dma_start3A_151] : memref<4x200x128xf32, #tpu.memory_space<vmem>> -> memref<1x200x128xf32, #tpu.memory_space<vmem>>
    %dma_start3A_153 = tpu.memref_squeeze %dma_start3A_152 : memref<1x200x128xf32, #tpu.memory_space<vmem>> -> memref<200x128xf32, #tpu.memory_space<vmem>>
    tpu.enqueue_dma source(%dma_start3A_153 : memref<200x128xf32, #tpu.memory_space<vmem>>) target(%dma_start3A_149 : memref<200x128xf32, #tpu.memory_space<hbm>>) target_semaphore(%arg13 : memref<!tpu.dma_semaphore, #tpu.memory_space<semaphore_mem>>)
    %add3A_154 = arith.constant 125 : i32
    %add3A_155 = arith.addi %mul3A_2, %add3A_154 : i32
    %dma_wait3A_156 = arith.constant 1 : i32
    %dma_wait3A_157 = arith.constant 0 : i32
    %dma_wait3A_158 = arith.constant 0 : i32
    %dma_wait3A_159 = tpu.memref_slice %arg6[%dma_wait3A_156, %dma_wait3A_157, %dma_wait3A_158] : memref<4x200x128xf32, #tpu.memory_space<vmem>> -> memref<1x200x128xf32, #tpu.memory_space<vmem>>
    %dma_wait3A_160 = tpu.memref_squeeze %dma_wait3A_159 : memref<1x200x128xf32, #tpu.memory_space<vmem>> -> memref<200x128xf32, #tpu.memory_space<vmem>>
    %dma_wait3A_161 = arith.constant 0 : i32
    %dma_wait3A_162 = arith.constant 0 : i32
    %dma_wait3A_163 = tpu.memref_slice %arg4[%add3A_155, %dma_wait3A_161, %dma_wait3A_162] : memref<4096x200x128xf32, #tpu.memory_space<hbm>> -> memref<1x200x128xf32, #tpu.memory_space<hbm>>
    %dma_wait3A_164 = tpu.memref_squeeze %dma_wait3A_163 : memref<1x200x128xf32, #tpu.memory_space<hbm>> -> memref<200x128xf32, #tpu.memory_space<hbm>>
    %dma_wait3A_165 = arith.constant 0 : i32
    %dma_wait3A_166 = arith.constant 0 : i32
    %dma_wait3A_167 = tpu.memref_slice %arg4[%add3A_155, %dma_wait3A_165, %dma_wait3A_166] : memref<4096x200x128xf32, #tpu.memory_space<hbm>> -> memref<1x200x128xf32, #tpu.memory_space<hbm>>
    %dma_wait3A_168 = tpu.memref_squeeze %dma_wait3A_167 : memref<1x200x128xf32, #tpu.memory_space<hbm>> -> memref<200x128xf32, #tpu.memory_space<hbm>>
    %dma_wait3A_169 = arith.constant 0 : i32
    %dma_wait3A_170 = arith.constant 0 : i32
    %dma_wait3A_171 = tpu.memref_slice %arg6[%dma_wait3A_156, %dma_wait3A_169, %dma_wait3A_170] : memref<4x200x128xf32, #tpu.memory_space<vmem>> -> memref<1x200x128xf32, #tpu.memory_space<vmem>>
    %dma_wait3A_172 = tpu.memref_squeeze %dma_wait3A_171 : memref<1x200x128xf32, #tpu.memory_space<vmem>> -> memref<200x128xf32, #tpu.memory_space<vmem>>
    tpu.wait_dma2 semaphore(%arg12 : memref<!tpu.dma_semaphore, #tpu.memory_space<semaphore_mem>>) src(%dma_wait3A_172 : memref<200x128xf32, #tpu.memory_space<vmem>>) dst(%dma_wait3A_168 : memref<200x128xf32, #tpu.memory_space<hbm>>)
    %dma_wait3A_173 = arith.constant 3 : i32
    %dma_wait3A_174 = arith.constant 0 : i32
    %dma_wait3A_175 = arith.constant 0 : i32
    %dma_wait3A_176 = tpu.memref_slice %arg6[%dma_wait3A_173, %dma_wait3A_174, %dma_wait3A_175] : memref<4x200x128xf32, #tpu.memory_space<vmem>> -> memref<1x200x128xf32, #tpu.memory_space<vmem>>
    %dma_wait3A_177 = tpu.memref_squeeze %dma_wait3A_176 : memref<1x200x128xf32, #tpu.memory_space<vmem>> -> memref<200x128xf32, #tpu.memory_space<vmem>>
    %dma_wait3A_178 = arith.constant 25400 : i32
    %dma_wait3A_179 = tpu.memref_slice %arg5[%dma_wait3A_178] : memref<25600xi32, #tpu.memory_space<vmem>> -> memref<200xi32, #tpu.memory_space<vmem>>
    %dma_wait3A_180 = arith.constant 0 : i32
    %dma_wait3A_181 = arith.constant 0 : i32
    %dma_wait3A_182 = tpu.memref_slice %arg2[%dma_wait3A_180, %dma_wait3A_181] : memref<8192x128xf32, #tpu.memory_space<hbm>> -> memref<8192x128xf32, #tpu.memory_space<hbm>>
    tpu.wait_indirect_dma semaphore(%arg10 : memref<!tpu.dma_semaphore, #tpu.memory_space<semaphore_mem>>) src(%dma_wait3A_182 : memref<8192x128xf32, #tpu.memory_space<hbm>>) dst(%dma_wait3A_177 : memref<200x128xf32, #tpu.memory_space<vmem>>)
    %add3A_183 = arith.constant 127 : i32
    %add3A_184 = arith.addi %mul3A_2, %add3A_183 : i32
    %dma_start3A_185 = arith.constant 3 : i32
    %dma_start3A_186 = arith.constant 0 : i32
    %dma_start3A_187 = arith.constant 0 : i32
    %dma_start3A_188 = tpu.memref_slice %arg6[%dma_start3A_185, %dma_start3A_186, %dma_start3A_187] : memref<4x200x128xf32, #tpu.memory_space<vmem>> -> memref<1x200x128xf32, #tpu.memory_space<vmem>>
    %dma_start3A_189 = tpu.memref_squeeze %dma_start3A_188 : memref<1x200x128xf32, #tpu.memory_space<vmem>> -> memref<200x128xf32, #tpu.memory_space<vmem>>
    %dma_start3A_190 = arith.constant 0 : i32
    %dma_start3A_191 = arith.constant 0 : i32
    %dma_start3A_192 = tpu.memref_slice %arg4[%add3A_184, %dma_start3A_190, %dma_start3A_191] : memref<4096x200x128xf32, #tpu.memory_space<hbm>> -> memref<1x200x128xf32, #tpu.memory_space<hbm>>
    %dma_start3A_193 = tpu.memref_squeeze %dma_start3A_192 : memref<1x200x128xf32, #tpu.memory_space<hbm>> -> memref<200x128xf32, #tpu.memory_space<hbm>>
    %dma_start3A_194 = arith.constant 0 : i32
    %dma_start3A_195 = arith.constant 0 : i32
    %dma_start3A_196 = tpu.memref_slice %arg4[%add3A_184, %dma_start3A_194, %dma_start3A_195] : memref<4096x200x128xf32, #tpu.memory_space<hbm>> -> memref<1x200x128xf32, #tpu.memory_space<hbm>>
    %dma_start3A_197 = tpu.memref_squeeze %dma_start3A_196 : memref<1x200x128xf32, #tpu.memory_space<hbm>> -> memref<200x128xf32, #tpu.memory_space<hbm>>
    %dma_start3A_198 = arith.constant 0 : i32
    %dma_start3A_199 = arith.constant 0 : i32
    %dma_start3A_200 = tpu.memref_slice %arg6[%dma_start3A_185, %dma_start3A_198, %dma_start3A_199] : memref<4x200x128xf32, #tpu.memory_space<vmem>> -> memref<1x200x128xf32, #tpu.memory_space<vmem>>
    %dma_start3A_201 = tpu.memref_squeeze %dma_start3A_200 : memref<1x200x128xf32, #tpu.memory_space<vmem>> -> memref<200x128xf32, #tpu.memory_space<vmem>>
    tpu.enqueue_dma source(%dma_start3A_201 : memref<200x128xf32, #tpu.memory_space<vmem>>) target(%dma_start3A_197 : memref<200x128xf32, #tpu.memory_space<hbm>>) target_semaphore(%arg14 : memref<!tpu.dma_semaphore, #tpu.memory_space<semaphore_mem>>)
    %add3A_202 = arith.constant 126 : i32
    %add3A_203 = arith.addi %mul3A_2, %add3A_202 : i32
    %dma_wait3A_204 = arith.constant 2 : i32
    %dma_wait3A_205 = arith.constant 0 : i32
    %dma_wait3A_206 = arith.constant 0 : i32
    %dma_wait3A_207 = tpu.memref_slice %arg6[%dma_wait3A_204, %dma_wait3A_205, %dma_wait3A_206] : memref<4x200x128xf32, #tpu.memory_space<vmem>> -> memref<1x200x128xf32, #tpu.memory_space<vmem>>
    %dma_wait3A_208 = tpu.memref_squeeze %dma_wait3A_207 : memref<1x200x128xf32, #tpu.memory_space<vmem>> -> memref<200x128xf32, #tpu.memory_space<vmem>>
    %dma_wait3A_209 = arith.constant 0 : i32
    %dma_wait3A_210 = arith.constant 0 : i32
    %dma_wait3A_211 = tpu.memref_slice %arg4[%add3A_203, %dma_wait3A_209, %dma_wait3A_210] : memref<4096x200x128xf32, #tpu.memory_space<hbm>> -> memref<1x200x128xf32, #tpu.memory_space<hbm>>
    %dma_wait3A_212 = tpu.memref_squeeze %dma_wait3A_211 : memref<1x200x128xf32, #tpu.memory_space<hbm>> -> memref<200x128xf32, #tpu.memory_space<hbm>>
    %dma_wait3A_213 = arith.constant 0 : i32
    %dma_wait3A_214 = arith.constant 0 : i32
    %dma_wait3A_215 = tpu.memref_slice %arg4[%add3A_203, %dma_wait3A_213, %dma_wait3A_214] : memref<4096x200x128xf32, #tpu.memory_space<hbm>> -> memref<1x200x128xf32, #tpu.memory_space<hbm>>
    %dma_wait3A_216 = tpu.memref_squeeze %dma_wait3A_215 : memref<1x200x128xf32, #tpu.memory_space<hbm>> -> memref<200x128xf32, #tpu.memory_space<hbm>>
    %dma_wait3A_217 = arith.constant 0 : i32
    %dma_wait3A_218 = arith.constant 0 : i32
    %dma_wait3A_219 = tpu.memref_slice %arg6[%dma_wait3A_204, %dma_wait3A_217, %dma_wait3A_218] : memref<4x200x128xf32, #tpu.memory_space<vmem>> -> memref<1x200x128xf32, #tpu.memory_space<vmem>>
    %dma_wait3A_220 = tpu.memref_squeeze %dma_wait3A_219 : memref<1x200x128xf32, #tpu.memory_space<vmem>> -> memref<200x128xf32, #tpu.memory_space<vmem>>
    tpu.wait_dma2 semaphore(%arg13 : memref<!tpu.dma_semaphore, #tpu.memory_space<semaphore_mem>>) src(%dma_wait3A_220 : memref<200x128xf32, #tpu.memory_space<vmem>>) dst(%dma_wait3A_216 : memref<200x128xf32, #tpu.memory_space<hbm>>)
    %add3A_221 = arith.constant 127 : i32
    %add3A_222 = arith.addi %mul3A_2, %add3A_221 : i32
    %dma_wait3A_223 = arith.constant 3 : i32
    %dma_wait3A_224 = arith.constant 0 : i32
    %dma_wait3A_225 = arith.constant 0 : i32
    %dma_wait3A_226 = tpu.memref_slice %arg6[%dma_wait3A_223, %dma_wait3A_224, %dma_wait3A_225] : memref<4x200x128xf32, #tpu.memory_space<vmem>> -> memref<1x200x128xf32, #tpu.memory_space<vmem>>
    %dma_wait3A_227 = tpu.memref_squeeze %dma_wait3A_226 : memref<1x200x128xf32, #tpu.memory_space<vmem>> -> memref<200x128xf32, #tpu.memory_space<vmem>>
    %dma_wait3A_228 = arith.constant 0 : i32
    %dma_wait3A_229 = arith.constant 0 : i32
    %dma_wait3A_230 = tpu.memref_slice %arg4[%add3A_222, %dma_wait3A_228, %dma_wait3A_229] : memref<4096x200x128xf32, #tpu.memory_space<hbm>> -> memref<1x200x128xf32, #tpu.memory_space<hbm>>
    %dma_wait3A_231 = tpu.memref_squeeze %dma_wait3A_230 : memref<1x200x128xf32, #tpu.memory_space<hbm>> -> memref<200x128xf32, #tpu.memory_space<hbm>>
    %dma_wait3A_232 = arith.constant 0 : i32
    %dma_wait3A_233 = arith.constant 0 : i32
    %dma_wait3A_234 = tpu.memref_slice %arg4[%add3A_222, %dma_wait3A_232, %dma_wait3A_233] : memref<4096x200x128xf32, #tpu.memory_space<hbm>> -> memref<1x200x128xf32, #tpu.memory_space<hbm>>
    %dma_wait3A_235 = tpu.memref_squeeze %dma_wait3A_234 : memref<1x200x128xf32, #tpu.memory_space<hbm>> -> memref<200x128xf32, #tpu.memory_space<hbm>>
    %dma_wait3A_236 = arith.constant 0 : i32
    %dma_wait3A_237 = arith.constant 0 : i32
    %dma_wait3A_238 = tpu.memref_slice %arg6[%dma_wait3A_223, %dma_wait3A_236, %dma_wait3A_237] : memref<4x200x128xf32, #tpu.memory_space<vmem>> -> memref<1x200x128xf32, #tpu.memory_space<vmem>>
    %dma_wait3A_239 = tpu.memref_squeeze %dma_wait3A_238 : memref<1x200x128xf32, #tpu.memory_space<vmem>> -> memref<200x128xf32, #tpu.memory_space<vmem>>
    tpu.wait_dma2 semaphore(%arg14 : memref<!tpu.dma_semaphore, #tpu.memory_space<semaphore_mem>>) src(%dma_wait3A_239 : memref<200x128xf32, #tpu.memory_space<vmem>>) dst(%dma_wait3A_235 : memref<200x128xf32, #tpu.memory_space<hbm>>)
    return
  }
}

</mosaic_0001>

<sc_bundles>
// kernel: kernel.3.cloned.1.call-start
scs
__scs_entry_jumppad:
0x0: {  	(pc) =	sbr.rel $0x88, $3  }
0x1: {  	(tag) =	ssettag $0x0;
	lr =	simm.s32 $0x1  }
0x2: {  	[smem:$0x3F9F] =	sst lr;
	_ =	strace $0xD0000000  }
0x3: {  	_ = 	snop  }
0x4: {  	_ = 	snop  }
0x5: {  	_ = 	snop  }
0x6: {  	_ = 	snop  }
0x7: {  	_ = 	snop  }
__scs_overlays_trampoline_lowered:
0x8: {  	[smem:$0x3FAE] =	sst s0  }
0x9: {  	[smem:$0x3FAF] =	sst s1  }
0xa: {  	[smem:$0x3FB0] =	sst s2  }
0xb: {  	[smem:$0x3FB1] =	sst s3  }
0xc: {  	[smem:$0x3FB2] =	sst s4  }
0xd: {  	[smem:$0x3FB3] =	sst s5  }
0xe: {  	[smem:$0x3FB4] =	sst s6  }
0xf: {  	[smem:$0x3FB5] =	sst s7  }
0x10: {  	[smem:$0x3FB6] =	sst s8  }
0x11: {  	[smem:$0x3FB7] =	sst s9;
	s0 =	simm.s32 @!p0 $0x0  }
0x12: {  	s1 =	sld [smem:$0x3F9D];
	s0 =	simm.s32 @p0 $0x1  }
0x13: {  	[smem:$0x3FB8] =	sst s0;
	s0 =	simm.s32 @!p1 $0x0  }
0x14: {  	s2 =	sld [smem:$0x3F9C];
	s0 =	simm.s32 @p1 $0x1  }
0x15: {  	[smem:$0x3FB9] =	sst s0;
	s0 =	simm.s32 @!p2 $0x0  }
0x16: {  	s3 =	sld [smem:$0x3FDB];
	s0 =	simm.s32 @p2 $0x1  }
0x17: {  	s4 =	simm.s32 $0x1BF5;
	[smem:$0x3FBB] =	sst s0  }
0x18: {  	s0 =	sld [smem:$0x3F9E];
	_ =	swait.ge [sflag:s4], $0x0  }
0x19: {  	s7 =	sld [smem:$0x3F9F]  }
0x1a: {  	s8 =	sadd.s32 $0xFFFFE003, lr  }
0x1b: {  	s9 =	sadd.s32 $0xFFFFFEF7, lr;
	s5 =	simm.s32 $0xFFFFFFFF;
	p2 =	slt.u32 s8, $0xFFFFF086  }
0x1c: {  	p1 =	slt.u32 s9, $0xF7A;
	s5 =	simm.s32 @!p2 $0x0  }
0x1d: {  	s5 =	simm.s32 @p1 $0x1;
	p0 =	seq.s32 s7, s2  }
0x1e: {  	s7 =	smul.u32 @!p0 $0xF7A, s2;
	p2 =	seq.s32 @!p0 s5, $0x0  }
0x1f: {  	s9 =	smul.u32 $0xF7A, s1;
	s8 =	simm.s32 @!p0 $0x1BF5;
	p2 =	por !p2, p0  }
0x20: {  	[sflag:s8] =	ssyncset.s32 @!p0 $0xFFFFF086;
	s6 =	sadd.s32 @!p0 s3, s7;
	s7 =	simm.s32 @!p0 $0x108  }
0x21: {  	s3 =	sadd.s32 s3, s9;
	s6 =	sadd.s32 @!p0 $0x88, s6;
	s7 =	simm.s32 @p2 $0x1082  }
0x22: {  	[simem:s7], [sflag:s8] =	dma.local @!p0 [hbm:s6], $0xF7A  }
0x23: {  	s9 =	sor.u32 $0xD0000000, s2;
	s6 =	simm.s32 $0x108;
	_ =	swait.ge @!p0 [sflag:s8], $0x0  }
0x24: {  	s3 =	sadd.s32 $0x88, s3;
	s6 =	simm.s32 @!p1 $0x1082;
	[sflag:s4] =	ssyncset.s32 $0xFFFFF086  }
0x25: {  	[simem:s6], [sflag:s4] =	dma.local [hbm:s3], $0xF7A  }
0x26: {  	[smem:$0x3F9F] =	sst s1;
	(tag) =	ssettag s2;
	_ =	strace s9  }
0x27: {  	s1 =	sld [smem:$0x3FAF]  }
0x28: {  	s2 =	sld [smem:$0x3FB0]  }
0x29: {  	s4 =	sld [smem:$0x3FB2]  }
0x2a: {  	p0 =	seq.s32 s5, $0x0;
	s5 =	sld [smem:$0x3FB3]  }
0x2b: {  	s6 =	sld [smem:$0x3FB4]  }
0x2c: {  	s7 =	sld [smem:$0x3FB5]  }
0x2d: {  	s3 =	simm.s32 $0x108;
	s8 =	sld [smem:$0x3FB6]  }
0x2e: {  	s3 =	simm.s32 @!p0 $0x1082;
	s9 =	sld [smem:$0x3FB7]  }
0x2f: {  	lr =	sadd.s32 s0, s3;
	s0 =	sld [smem:$0x3FAE]  }
0x30: {  	s3 =	sld [smem:$0x3FB1]  }
0x31: {  	[smem:$0x3FBA] =	sst s10  }
0x32: {  	s10 =	sld [smem:$0x3FB8];
	_ =	sdelay $0x3  }
0x33: {  	p0 =	seq.s32 s10, $0x1;
	s10 =	sld [smem:$0x3FBA];
	_ =	sdelay $0x3  }
0x34: {  	[smem:$0x3FBA] =	sst s10  }
0x35: {  	s10 =	sld [smem:$0x3FB9];
	_ =	sdelay $0x3  }
0x36: {  	p1 =	seq.s32 s10, $0x1;
	s10 =	sld [smem:$0x3FBA];
	_ =	sdelay $0x3  }
0x37: {  	[smem:$0x3FBA] =	sst s10  }
0x38: {  	s10 =	sld [smem:$0x3FBB]  }
0x39: {  	_ = 	snop;
	(pc) =	sbr.ind lr, $3  }
0x3a: {  	_ = 	snop  }
0x3b: {  	_ = 	snop  }
0x3c: {  	p2 =	seq.s32 s10, $0x1;
	s10 =	sld [smem:$0x3FBA]  }
0x3d: {  	_ =	shalt  }
0x3e: {  	_ =	shalt  }
0x3f: {  	_ =	shalt  }
0x40: {  	_ =	shalt  }
0x41: {  	_ =	shalt  }
0x42: {  	_ =	shalt  }
0x43: {  	_ =	shalt  }
0x44: {  	_ =	shalt  }
0x45: {  	_ =	shalt  }
0x46: {  	_ =	shalt  }
0x47: {  	_ =	shalt  }
0x48: {  	_ =	shalt  }
0x49: {  	_ =	shalt  }
0x4a: {  	_ =	shalt  }
0x4b: {  	_ =	shalt  }
0x4c: {  	_ =	shalt  }
0x4d: {  	_ =	shalt  }
0x4e: {  	_ =	shalt  }
0x4f: {  	_ =	shalt  }
0x50: {  	_ =	shalt  }
0x51: {  	_ =	shalt  }
0x52: {  	_ =	shalt  }
0x53: {  	_ =	shalt  }
0x54: {  	_ =	shalt  }
0x55: {  	_ =	shalt  }
0x56: {  	_ =	shalt  }
0x57: {  	_ =	shalt  }
0x58: {  	_ =	shalt  }
0x59: {  	_ =	shalt  }
0x5a: {  	_ =	shalt  }
0x5b: {  	_ =	shalt  }
0x5c: {  	_ =	shalt  }
0x5d: {  	_ =	shalt  }
0x5e: {  	_ =	shalt  }
0x5f: {  	_ =	shalt  }
0x60: {  	_ =	shalt  }
0x61: {  	_ =	shalt  }
0x62: {  	_ =	shalt  }
0x63: {  	_ =	shalt  }
0x64: {  	_ =	shalt  }
0x65: {  	_ =	shalt  }
0x66: {  	_ =	shalt  }
0x67: {  	_ =	shalt  }
0x68: {  	_ =	shalt  }
0x69: {  	_ =	shalt  }
0x6a: {  	_ =	shalt  }
0x6b: {  	_ =	shalt  }
0x6c: {  	_ =	shalt  }
0x6d: {  	_ =	shalt  }
0x6e: {  	_ =	shalt  }
0x6f: {  	_ =	shalt  }
0x70: {  	_ =	shalt  }
0x71: {  	_ =	shalt  }
0x72: {  	_ =	shalt  }
0x73: {  	_ =	shalt  }
0x74: {  	_ =	shalt  }
0x75: {  	_ =	shalt  }
0x76: {  	_ =	shalt  }
0x77: {  	_ =	shalt  }
0x78: {  	_ =	shalt  }
0x79: {  	_ =	shalt  }
0x7a: {  	_ =	shalt  }
0x7b: {  	_ =	shalt  }
0x7c: {  	_ =	shalt  }
0x7d: {  	_ =	shalt  }
0x7e: {  	_ =	shalt  }
0x7f: {  	_ =	shalt  }
0x80: {  	_ =	shalt  }
0x81: {  	_ =	shalt  }
0x82: {  	_ =	shalt  }
0x83: {  	_ =	shalt  }
0x84: {  	_ =	shalt  }
0x85: {  	_ =	shalt  }
0x86: {  	_ =	shalt  }
0x87: {  	_ =	shalt  }
.Lfunc_end0:
.L_simem_size_0:
called_computation_lowered:
.L_overlay_start_0:
0x88: {  	s2 =	sld [smem:$0x3FD9]  }
0x89: {  	s3 =	sld [smem:$0x3FFE];
	_ =	sdelay $0x1  }
0x8a: {  	s1 =	srdreg.scid  }
0x8b: {  	s0 =	sand.u32 $0x1, s1  }
0x8c: {  	s17 =	sshll.u32 s0, $0xA;
	s2 =	sadd.s32 s3, s2  }
0x8d: {  	s2 =	sadd.s32 s2, s17  }
0x8e: {  	[smem:$0x3FC6] =	sst s2  }
0x8f: {  	_ = 	snop  }
0x90: {  	s2 =	sld [smem:$0x3FC8]  }
0x91: {  	s18 =	sld [smem:$0x3FD0];
	(tm) =	ssettm $0x1  }
0x92: {  	s4 =	sld [smem:$0x3FFB];
	_ =	sdelay $0x3  }
0x93: {  	_ =	strace s4  }
0x94: {  	s4 =	sld [smem:$0x3FFC];
	_ =	sdelay $0x3  }
0x95: {  	_ =	strace s4  }
0x96: {  	s4 =	sld [smem:$0x3FFD];
	_ =	sdelay $0x3  }
0x97: {  	_ =	strace s4  }
0x98: {  	_ =	strace $0x8FFFFFFF  }
0x99: {  	s19 =	sld [smem:$0x3FDB];
	_ =	sdelay $0x1  }
0x9a: {  	s5 =	simm.s32 $_scs_section_size  }
0x9b: {  	s6 =	simm.s32 $_size__tile_overlayer_lowered;
	s7 =	simm.s32 $_tile_overlayer_lowered  }
0x9c: {  	s22 =	simm.s32 $0x1BFF;
	s21 =	sshll.u32 s7, $0x1;
	s4 =	sadd.s32 s5, s19  }
0x9d: {  	s8 =	simm.s32 $0x0;
	s20 =	sshll.u32 s6, $0x1;
	s6 =	sadd.s32 s21, s4  }
0x9e: {  	[timem:s8], [sflag:s22] =	dma.local [hbm:s6], s20  }
0x9f: {  	_ =	swait.ge [sflag:s22], s20  }
0xa0: {  	s5 =	ssub.s32 $0x0, s20;
	[sflag:s22] =	ssyncset.done $0x0  }
0xa1: {  	[sflag:s22] =	ssyncadd.s32 s5;
	_ =	sdelay $0x1  }
0xa2: {  	s23 =	simm.s32 $0x1B8B  }
0xa3: {  	_ =	swait.ge [sflag:s23], $0x1  }
0xa4: {  	[sflag:s23] =	ssyncset.done $0x0  }
0xa5: {  	s25 =	simm.s32 $0x1B8E;
	s24 =	sld [smem:$0x3FFE];
	[sflag:s23] =	ssyncadd.s32 $0xFFFFFFFF  }
0xa6: {  	s26 =	simm.s32 $execute0_lowered;
	[smem:$0x3FD2] =	sst s25  }
0xa7: {  	s6 =	sshll.u32 s26, $0x1;
	_ =	strace $0x80000046;
	[dreg:$0x1] =	wrdreg $0xFFFFFFFF  }
0xa8: {  	s28 =	simm.s32 $_size_execute0_lowered;
	s4 =	sadd.s32 s4, s6;
	[dreg:$0x0] =	wrdreg $0x0  }
0xa9: {  	s6 =	sshll.u32 s28, $0x1;
	[dreg:$0x2] =	wrdreg s4  }
0xaa: {  	[dreg:$0x3] =	wrdreg s6  }
0xab: {  	[dreg:$0x4] =	wrdreg $0xC0  }
0xac: {  	_ =	task [dreg:s8], $0x5FFFF  }
0xad: {  	[dreg:$0x1] =	wrdreg $0xFFFFFFFF  }
0xae: {  	[dreg:$0x0] =	wrdreg $0x60  }
0xaf: {  	[dreg:$0x2] =	wrdreg s2  }
0xb0: {  	[dreg:$0x3] =	wrdreg s24  }
0xb1: {  	[dreg:$0x4] =	wrdreg s18  }
0xb2: {  	[dreg:$0x5] =	wrdreg $0x9  }
0xb3: {  	_ =	task.clear_ibuf [dreg:s8], $0x6FFFF;
	_ =	strace $0x90000046  }
0xb4: {  	s29 =	simm.s32 $0x9;
	_ =	strace $0x80000048  }
0xb5: {  	_ =	swait.ge [sflag:s29], $0x1  }
0xb6: {  	[sflag:s29] =	ssyncadd.s32 $0xFFFFFFFF  }
0xb7: {  	_ =	strace $0x90000048  }
0xb8: {  	_ =	sfence  }
0xb9: {  	s30 =	sld [smem:$0x0];
	_ =	sdelay $0x2  }
0xba: {  	s31 =	sshll.u32 s1, $0xD;
	s1 =	sshrl.u32 s1, $0x2  }
0xbb: {  	s3 =	sand.u32 $0x4000, s31;
	s1 =	sadd.s32 s1, s30  }
0xbc: {  	s0 =	sor.u32 s3, s0;
	s1 =	sshll.u32 s1, $0x11  }
0xbd: {  	s0 =	sor.u32 s1, s0  }
0xbe: {  	s0 =	sadd.s32 $0x8F2B, s0  }
0xbf: {  	[sflag:s0] =	ssyncadd.remote.s32 $0x1  }
0xc0: {  	_ =	sfence.sel $0xFFFF  }
0xc1: {  	[dreg:$0x0] =	wrdreg $0xFFFFFFFF;
	(pc) =	sbr.abs _section_cstart, $3  }
0xc2: {  	[dreg:$0x1] =	wrdreg $0xFFFFFFFF  }
0xc3: {  	_ =	task.clear_ibuf [dreg:s8], $0x2FFFF;
	_ =	strace $0x9FFFFFFF  }
0xc4: {  	(tm) =	ssettm $0x7FFFFFFF  }
0xc5: {  	_ =	shalt  }
tec
execute0_lowered:
.L_overlay_start_1:
0x0: {  	(tag) =	ssettag $0x1  }
0x1: {  	s1 =	rddreg [dreg:$0x0]  }
0x2: {  	s4 =	rddreg [dreg:$0x1];
	s2 =	srdreg.scid  }
0x3: {  	s0 =	stileid.u32;
	s8 =	rddreg [dreg:$0x2];
	s3 =	simm.s32 $0x0  }
0x4: {  	s13 =	simm.s32 $0x6400;
	s14 =	simm.s32 $0xC800;
	s15 =	simm.s32 $0x190  }
0x5: {  	s16 =	simm.s32 $0x12C00;
	s17 =	simm.s32 $0x1;
	s18 =	simm.s32 $0x258  }
0x6: {  	s19 =	simm.s32 $0x19000;
	s20 =	simm.s32 $0x2;
	s21 =	simm.s32 $0x5  }
0x7: {  	s22 =	simm.s32 $0x3;
	s23 =	simm.s32 $0x6;
	s24 =	simm.s32 $0x4  }
0x8: {  	s6 =	sand.u32 $0x1, s2;
	s5 =	sshll.u32 s0, $0x1;
	s31 =	smul.u32 $0xC8000, s0  }
0x9: {  	s25 =	simm.s32 $0x7;
	s5 =	sor.u32 s6, s5;
	s12 =	smul.u32 $0x64000, s6  }
0xa: {  	s26 =	simm.s32 $0x8;
	s28 =	simm.s32 $0x0;
	s7 =	smul.u32 $0xC80, s5  }
0xb: {  	[smem:$0x7FF] =	sst s3;
	s9 =	ssub.s32 $0x2, s6;
	s11 =	smul.u32 $0x320000, s5  }
0xc: {  	_ =	strace $0x80000047;
	s10 =	sshrl.u32 s9, $0x1;
	s5 =	smul.u32 $0x64000, s5  }
0xd: {  	s9 =	ssub.s32 s9, s10;
	s10 =	sadd.s32 s31, s8;
	s4 =	sadd.s32 s7, s4  }
0xe: {  	s30 =	sshrl.u32 s11, $0x3;
	s5 =	sadd.s32 s8, s5;
	s9 =	smax.u32 s9, $0x1  }
0xf: {  	s10 =	sadd.s32 s12, s10;
	s12 =	simm.s32 $0xC8;
	s11 =	sadd.s32 s8, s30  }
0x10: {  	s4 =	sadd.s32 $0x400, s4;
	s10 =	sadd.s32 $0x1900, s10;
	s6 =	sadd.s32 $0x61A80, s11  }
0x11: {  	s7 =	sadd.s32 $0x62700, s11;
	s8 =	sadd.s32 $0x63380, s11;
	s11 =	simm.s32 $0x9  }
.LBB2_1:
0x12: {  	[tilespmem:s3], [sflag:$0x9] =	stream.linear.gather [hbm4b:s4+s3], $0x6400, $0x38;
	[tilespmem:$0x1F400] =	vst v63  }
0x13: {  	_ =	swait.ge [sflag:s11], $0x6400  }
0x14: {  	[sflag:s11] =	ssyncset.done $0x0  }
0x15: {  	[sflag:s11] =	ssyncadd.s32 $0xFFFF9C00  }
0x16: {  	[tilespmem:s13], [sflag:$0x1] =	stream.indirect.gather [hbm4b:s1+s12], $0x80, s3, s12, $0xb8;
	[tilespmem:$0x1F400] =	vst v63  }
0x17: {  	_ = 	snop  }
0x18: {  	[tilespmem:s14], [sflag:$0x2] =	stream.indirect.gather [hbm4b:s1+s12], $0x80, s12, s12, $0xb8;
	[tilespmem:$0x1F400] =	vst v63  }
0x19: {  	_ = 	snop  }
0x1a: {  	[tilespmem:s16], [sflag:$0x3] =	stream.indirect.gather [hbm4b:s1+s12], $0x80, s15, s12, $0xb8;
	[tilespmem:$0x1F400] =	vst v63  }
0x1b: {  	_ =	swait.ge [sflag:s17], $0x6400  }
0x1c: {  	[sflag:s17] =	ssyncset.done $0x0  }
0x1d: {  	[sflag:s17] =	ssyncadd.s32 $0xFFFF9C00  }
0x1e: {  	[hbm4b:s5+s3] =	stream.linear.scatter [tilespmem:s13], [sflag:$0x5], $0x6400, $0x38;
	[tilespmem:$0x1F400] =	vst v63  }
0x1f: {  	_ = 	snop  }
0x20: {  	[tilespmem:s19], [sflag:$0x4] =	stream.indirect.gather [hbm4b:s1+s12], $0x80, s18, s12, $0xb8;
	[tilespmem:$0x1F400] =	vst v63  }
0x21: {  	_ =	swait.ge [sflag:s20], $0x6400  }
0x22: {  	[sflag:s20] =	ssyncset.done $0x0  }
0x23: {  	s29 =	sadd.s32 $0xFFFFF380, s10;
	[sflag:s20] =	ssyncadd.s32 $0xFFFF9C00  }
0x24: {  	[hbm4b:s29+s3] =	stream.linear.scatter [tilespmem:s14], [sflag:$0x6], $0x6400, $0x38;
	[tilespmem:$0x1F400] =	vst v63  }
0x25: {  	_ =	swait.ge [sflag:s21], $0x6400  }
0x26: {  	[sflag:s21] =	ssyncset.done $0x0  }
0x27: {  	s29 =	simm.s32 $0x320;
	[sflag:s21] =	ssyncadd.s32 $0xFFFF9C00  }
0x28: {  	[tilespmem:s13], [sflag:$0x1] =	stream.indirect.gather [hbm4b:s1+s12], $0x80, s29, s12, $0xb8;
	[tilespmem:$0x1F400] =	vst v63  }
0x29: {  	_ =	swait.ge [sflag:s22], $0x6400  }
0x2a: {  	[sflag:s22] =	ssyncset.done $0x0  }
0x2b: {  	[sflag:s22] =	ssyncadd.s32 $0xFFFF9C00  }
0x2c: {  	[hbm4b:s10+s3] =	stream.linear.scatter [tilespmem:s16], [sflag:$0x7], $0x6400, $0x38;
	[tilespmem:$0x1F400] =	vst v63  }
0x2d: {  	_ =	swait.ge [sflag:s23], $0x6400  }
0x2e: {  	[sflag:s23] =	ssyncset.done $0x0  }
0x2f: {  	s29 =	simm.s32 $0x3E8;
	[sflag:s23] =	ssyncadd.s32 $0xFFFF9C00  }
0x30: {  	[tilespmem:s14], [sflag:$0x2] =	stream.indirect.gather [hbm4b:s1+s12], $0x80, s29, s12, $0xb8;
	[tilespmem:$0x1F400] =	vst v63  }
0x31: {  	_ =	swait.ge [sflag:s24], $0x6400  }
0x32: {  	[sflag:s24] =	ssyncset.done $0x0  }
0x33: {  	s29 =	sadd.s32 $0xC80, s10;
	[sflag:s24] =	ssyncadd.s32 $0xFFFF9C00  }
0x34: {  	[hbm4b:s29+s3] =	stream.linear.scatter [tilespmem:s19], [sflag:$0x8], $0x6400, $0x38;
	[tilespmem:$0x1F400] =	vst v63  }
0x35: {  	_ =	swait.ge [sflag:s25], $0x6400  }
0x36: {  	[sflag:s25] =	ssyncset.done $0x0  }
0x37: {  	s29 =	simm.s32 $0x4B0;
	[sflag:s25] =	ssyncadd.s32 $0xFFFF9C00  }
0x38: {  	[tilespmem:s16], [sflag:$0x3] =	stream.indirect.gather [hbm4b:s1+s12], $0x80, s29, s12, $0xb8;
	[tilespmem:$0x1F400] =	vst v63  }
0x39: {  	_ =	swait.ge [sflag:s17], $0x6400  }
0x3a: {  	[sflag:s17] =	ssyncset.done $0x0  }
0x3b: {  	s29 =	sadd.s32 $0x1900, s10;
	[sflag:s17] =	ssyncadd.s32 $0xFFFF9C00  }
0x3c: {  	[hbm4b:s29+s3] =	stream.linear.scatter [tilespmem:s13], [sflag:$0x5], $0x6400, $0x38;
	[tilespmem:$0x1F400] =	vst v63  }
0x3d: {  	_ =	swait.ge [sflag:s26], $0x6400  }
0x3e: {  	s31 =	simm.s32 $0x578;
	[sflag:s26] =	ssyncset.done $0x0  }
0x3f: {  	s30 =	sadd.s32 $0x3200, s10;
	s29 =	simm.s32 $0xC80;
	[sflag:s26] =	ssyncadd.s32 $0xFFFF9C00  }
.LBB2_2:
0x40: {  	[tilespmem:s19], [sflag:$0x4] =	stream.indirect.gather [hbm4b:s1+s12], $0x80, s31, s12, $0xb8;
	[tilespmem:$0x1F400] =	vst v63  }
0x41: {  	s31 =	smov.u32 s29  }
0x42: {  	p0 =	sne.s32 s29, $0x17700;
	s29 =	sadd.s32 $0xC80, s29;
	_ =	swait.ge [sflag:s20], $0x6400  }
0x43: {  	[sflag:s20] =	ssyncset.done $0x0  }
0x44: {  	s2 =	sadd.s32 $0xFFFFF380, s30;
	[sflag:s20] =	ssyncadd.s32 $0xFFFF9C00  }
0x45: {  	[hbm4b:s2+s3] =	stream.linear.scatter [tilespmem:s14], [sflag:$0x6], $0x6400, $0x38;
	[tilespmem:$0x1F400] =	vst v63  }
0x46: {  	_ =	swait.ge [sflag:s21], $0x6400  }
0x47: {  	s2 =	sshra.s32 s31, $0x2;
	[sflag:s21] =	ssyncset.done $0x0  }
0x48: {  	s31 =	sadd.s32 $0x320, s2;
	[sflag:s21] =	ssyncadd.s32 $0xFFFF9C00  }
0x49: {  	[tilespmem:s13], [sflag:$0x1] =	stream.indirect.gather [hbm4b:s1+s12], $0x80, s31, s12, $0xb8;
	[tilespmem:$0x1F400] =	vst v63  }
0x4a: {  	_ =	swait.ge [sflag:s22], $0x6400  }
0x4b: {  	[sflag:s22] =	ssyncset.done $0x0  }
0x4c: {  	[sflag:s22] =	ssyncadd.s32 $0xFFFF9C00  }
0x4d: {  	[hbm4b:s30+s3] =	stream.linear.scatter [tilespmem:s16], [sflag:$0x7], $0x6400, $0x38;
	[tilespmem:$0x1F400] =	vst v63  }
0x4e: {  	_ =	swait.ge [sflag:s23], $0x6400  }
0x4f: {  	[sflag:s23] =	ssyncset.done $0x0  }
0x50: {  	s31 =	sadd.s32 $0x3E8, s2;
	[sflag:s23] =	ssyncadd.s32 $0xFFFF9C00  }
0x51: {  	[tilespmem:s14], [sflag:$0x2] =	stream.indirect.gather [hbm4b:s1+s12], $0x80, s31, s12, $0xb8;
	[tilespmem:$0x1F400] =	vst v63  }
0x52: {  	_ =	swait.ge [sflag:s24], $0x6400  }
0x53: {  	[sflag:s24] =	ssyncset.done $0x0  }
0x54: {  	s31 =	sadd.s32 $0xC80, s30;
	[sflag:s24] =	ssyncadd.s32 $0xFFFF9C00  }
0x55: {  	[hbm4b:s31+s3] =	stream.linear.scatter [tilespmem:s19], [sflag:$0x8], $0x6400, $0x38;
	[tilespmem:$0x1F400] =	vst v63  }
0x56: {  	_ =	swait.ge [sflag:s25], $0x6400  }
0x57: {  	[sflag:s25] =	ssyncset.done $0x0  }
0x58: {  	s31 =	sadd.s32 $0x4B0, s2;
	[sflag:s25] =	ssyncadd.s32 $0xFFFF9C00  }
0x59: {  	[tilespmem:s16], [sflag:$0x3] =	stream.indirect.gather [hbm4b:s1+s12], $0x80, s31, s12, $0xb8;
	[tilespmem:$0x1F400] =	vst v63  }
0x5a: {  	_ =	swait.ge [sflag:s17], $0x6400  }
0x5b: {  	[sflag:s17] =	ssyncset.done $0x0  }
.Ltmp0:
0x5c: {  	s31 =	sadd.s32 $0x1900, s30;
	[sflag:s17] =	ssyncadd.s32 $0xFFFF9C00;
	(pc) =	sbr.rel @p0 .LBB2_2-.Ltmp0, $4  }
0x5d: {  	[hbm4b:s31+s3] =	stream.linear.scatter [tilespmem:s13], [sflag:$0x5], $0x6400, $0x38;
	[tilespmem:$0x1F400] =	vst v63  }
0x5e: {  	_ =	swait.ge [sflag:s26], $0x6400  }
0x5f: {  	[sflag:s26] =	ssyncset.done $0x0  }
0x60: {  	s30 =	sadd.s32 $0x3200, s30;
	s31 =	sadd.s32 $0x578, s2;
	[sflag:s26] =	ssyncadd.s32 $0xFFFF9C00  }
0x61: {  	[tilespmem:s19], [sflag:$0x4] =	stream.indirect.gather [hbm4b:s1+s12], $0x80, s31, s12, $0xb8;
	[tilespmem:$0x1F400] =	vst v63  }
0x62: {  	_ =	swait.ge [sflag:s20], $0x6400  }
0x63: {  	[sflag:s20] =	ssyncset.done $0x0  }
0x64: {  	[sflag:s20] =	ssyncadd.s32 $0xFFFF9C00  }
0x65: {  	[hbm4b:s6+s3] =	stream.linear.scatter [tilespmem:s14], [sflag:$0x6], $0x6400, $0x38;
	[tilespmem:$0x1F400] =	vst v63  }
0x66: {  	_ =	swait.ge [sflag:s21], $0x6400  }
0x67: {  	[sflag:s21] =	ssyncset.done $0x0  }
0x68: {  	[sflag:s21] =	ssyncadd.s32 $0xFFFF9C00  }
0x69: {  	_ =	swait.ge [sflag:s22], $0x6400  }
0x6a: {  	[sflag:s22] =	ssyncset.done $0x0  }
0x6b: {  	[sflag:s22] =	ssyncadd.s32 $0xFFFF9C00  }
0x6c: {  	[hbm4b:s7+s3] =	stream.linear.scatter [tilespmem:s16], [sflag:$0x7], $0x6400, $0x38;
	[tilespmem:$0x1F400] =	vst v63  }
0x6d: {  	_ =	swait.ge [sflag:s23], $0x6400  }
0x6e: {  	[sflag:s23] =	ssyncset.done $0x0  }
0x6f: {  	[sflag:s23] =	ssyncadd.s32 $0xFFFF9C00  }
0x70: {  	_ =	swait.ge [sflag:s24], $0x6400  }
0x71: {  	[sflag:s24] =	ssyncset.done $0x0  }
0x72: {  	s28 =	sadd.s32 $0x1, s28;
	[sflag:s24] =	ssyncadd.s32 $0xFFFF9C00  }
0x73: {  	[hbm4b:s8+s3] =	stream.linear.scatter [tilespmem:s19], [sflag:$0x8], $0x6400, $0x38;
	[tilespmem:$0x1F400] =	vst v63  }
0x74: {  	p0 =	sne.s32 s28, s9;
	_ =	swait.ge [sflag:s25], $0x6400  }
.Ltmp1:
0x75: {  	[sflag:s25] =	ssyncset.done $0x0;
	(pc) =	sbr.rel @p0 .LBB2_1-.Ltmp1, $4  }
0x76: {  	[sflag:s25] =	ssyncadd.s32 $0xFFFF9C00  }
0x77: {  	_ =	swait.ge [sflag:s26], $0x6400  }
0x78: {  	[sflag:s26] =	ssyncset.done $0x0  }
0x79: {  	[sflag:s26] =	ssyncadd.s32 $0xFFFF9C00  }
0x7a: {  	_ =	sfence.sel $0x180000  }
0x7b: {  	[bflag:$0x0] =	sbarrier.arrive $0xFFFF  }
0x7c: {  	_ =	strace $0x90000047  }
0x7d: {  	[bflag:$0x2] =	sbarrier.arrive $0xFFFF  }
0x7e: {  	p0 =	sne.s32 s0, $0x0;
	s0 =	rddreg [dreg:$0x3]  }
0x7f: {  	s0 =	sadd.s32 @!p0 $0x100000, s0  }
0x80: {  	[sflag:s0] =	ssyncadd.tile.s32 @!p0 $0x1;
	_ =	shalt  }
.Lfunc_end2:
_tile_overlayer_lowered:
.L_overlay_start_2:
0x81: {  	(tag) =	ssettag $0x2  }
0x82: {  	s0 =	rddreg [dreg:$0x0];
	s2 =	stileid.u32  }
0x83: {  	s1 =	rddreg [dreg:$0x1];
	p0 =	sne.s32 s2, $0x0  }
0x84: {  	s3 =	rddreg [dreg:$0x2];
	[bflag:$0x3] =	sbarrier.arrive $0xFFFF;
	s2 =	simm.s32 @!p0 $0x1C09  }
0x85: {  	[timem:s3], [sflag:s2] =	dma.local @!p0 [hbm:s0], s1  }
0x86: {  	s0 =	simm.s32 @!p0 $0x9  }
0x87: {  	_ =	swait.ge @!p0 [sflag:s0], s1  }
0x88: {  	s1 =	ssub.s32 @!p0 $0x0, s1;
	[sflag:s0] =	ssyncset.done @!p0 $0x0  }
0x89: {  	[sflag:s0] =	ssyncadd.s32 @!p0 s1  }
0x8a: {  	[bflag:$0x3] =	sbarrier.arrive $0xFFFF  }
0x8b: {  	_ =	shalt  }

</sc_bundles>
